<compile_context>
chip_gen: v7x
topology: tpu7x:2x2x1
jax: 0.10.2.dev20260603
libtpu: 0.0.44.dev20260713+nightly
codegen_flags: <defaults>
</compile_context>

<pallas_src>
import functools

import jax
import jax.numpy as jnp
from jax import lax
from jax.experimental import pallas as pl
from jax.experimental.pallas import tpu as pltpu
from jax.experimental.pallas import tpu_sc as plsc

_BATCH = 16384
_D = 128
_NC = 2
_NS = 16
_NW = _NC * _NS
_RPW = _BATCH // _NW
_CSIZES = (160, 160, 160, 32)
_COFFS = (0, 160, 320, 480)
_CMAX = max(_CSIZES)
_NCHUNK = len(_CSIZES)
_NBUF = 2
_U = 4
_LANES = _D // 16


def _sc_body(feat_hbm, tgt_hbm, cent_hbm, out_hbm,
             idx_v, acc_v, fbufs, cbufs, sems):
    wid = lax.axis_index("s") * _NC + lax.axis_index("c")
    base = wid * _RPW

    def fire_feat(c):
        slot = c % _NBUF
        n = _CSIZES[c]
        return (pltpu.async_copy(
            feat_hbm.at[pl.ds(base + _COFFS[c], n)],
            fbufs[slot].at[pl.ds(0, n)], sems[slot]),)

    def fire_cent(c):
        slot = c % _NBUF
        n = _CSIZES[c]
        return (pltpu.async_copy(
            cent_hbm.at[idx_v.at[pl.ds(_COFFS[c], n)]],
            cbufs[slot].at[pl.ds(0, n)], sems[slot]),)

    hf0 = fire_feat(0)
    pltpu.sync_copy(tgt_hbm.at[pl.ds(base, _RPW)], idx_v)
    handles = [None] * _NCHUNK
    handles[0] = hf0 + fire_cent(0)
    for c in range(1, _NBUF):
        handles[c] = fire_feat(c) + fire_cent(c)

    accs = tuple(jnp.zeros((16,), jnp.float32) for _ in range(_LANES))
    for c in range(_NCHUNK):
        for h in handles[c]:
            h.wait()
        if c + _NBUF < _NCHUNK:
            handles[c + _NBUF] = fire_feat(c + _NBUF) + fire_cent(c + _NBUF)
        slot = c % _NBUF
        fb = fbufs[slot]
        cb = cbufs[slot]

        def row_body(r, a, fb=fb, cb=cb):
            new = []
            for j in range(_LANES):
                d = fb[r, pl.ds(j * 16, 16)] - cb[r, pl.ds(j * 16, 16)]
                new.append(a[j] + d * d)
            return tuple(new)

        accs = plsc.parallel_loop(
            0, _CSIZES[c], 1, unroll=_U, carry=accs)(row_body)

    acc = accs[0]
    for j in range(1, _LANES):
        acc = acc + accs[j]
    acc_v[...] = acc
    pltpu.sync_copy(acc_v, out_hbm.at[wid])


@functools.partial(
    pl.kernel,
    out_type=jax.ShapeDtypeStruct((_NW, 16), jnp.float32),
    mesh=plsc.VectorSubcoreMesh(core_axis_name="c", subcore_axis_name="s"),
    scratch_types=[
        pltpu.VMEM((_RPW,), jnp.int32),
        pltpu.VMEM((16,), jnp.float32),
    ] + [pltpu.VMEM((_CMAX, _D), jnp.float32) for _ in range(2 * _NBUF)]
      + [pltpu.SemaphoreType.DMA for _ in range(_NBUF)],
)
def _sc_partials(feat_hbm, tgt_hbm, cent_hbm, out_hbm, idx_v, acc_v, *rest):
    fbufs = rest[:_NBUF]
    cbufs = rest[_NBUF:2 * _NBUF]
    sems = rest[2 * _NBUF:]
    _sc_body(feat_hbm, tgt_hbm, cent_hbm, out_hbm, idx_v, acc_v,
             fbufs, cbufs, sems)


def _reduce_body(p_ref, o_ref):
    o_ref[...] = jnp.sum(p_ref[...], axis=(0, 1), keepdims=True) * (
        1.0 / (_BATCH * _D))


_reduce = pl.pallas_call(
    _reduce_body,
    out_shape=jax.ShapeDtypeStruct((1, 1), jnp.float32),
)


@jax.jit
def kernel(features, targets, centers):
    partials = _sc_partials(features, targets.astype(jnp.int32), centers)
    return _reduce(partials)[0, 0]

# --- scband reference (transcript-rebuilt; emitter-appended) ---
"""Pipeline reference for scband-center-loss-65377992180011 (READ-ONLY COPY).

The authoritative reference and input builder live on the scoring server;
editing this copy changes nothing except your own understanding.
"""

import jax, jax.numpy as jnp
import numpy as np

NUM_CLASSES = 100000
FEATURE_DIM = 128
BATCH = 16384


def setup_inputs(seed: int = 0) -> dict:
    key = jax.random.key(seed)
    k1, k2, k3 = jax.random.split(key, 3)
    features = jax.random.normal(k1, (BATCH, FEATURE_DIM), dtype=jnp.float32)
    targets = jax.random.randint(k2, (BATCH,), 0, NUM_CLASSES, dtype=jnp.int64 if jax.config.read('jax_enable_x64') else jnp.int32)
    centers = jax.random.normal(k3, (NUM_CLASSES, FEATURE_DIM), dtype=jnp.float32)
    return {"features": features, "targets": targets, "centers": centers}


def reference(features, targets, centers):
    # centers_batch = self.centers[targets]  (embedding-style gather)
    centers_batch = jnp.take(centers, targets, axis=0)
    # F.mse_loss(features, centers_batch) with default reduction='mean'
    loss = jnp.mean((features - centers_batch) ** 2)
    return loss

if __name__ == "__main__":
    import jax
    _d = setup_inputs()
    print(jax.jit(kernel)(*tuple(_d.values())))

</pallas_src>

<mosaic_0001>
#map = affine_map<(d0, d1) -> (0, 0)>
#map1 = affine_map<(d0, d1) -> (0)>
module attributes {stable_mosaic.version = 14 : i64} {
  func.func @_sc_partials(%arg0: i32, %arg1: i32, %arg2: memref<16384x128xf32, #tpu.memory_space<hbm>>, %arg3: memref<16384xi32, #tpu.memory_space<hbm>>, %arg4: memref<100000x128xf32, #tpu.memory_space<hbm>>, %arg5: memref<32x16xf32, #tpu.memory_space<hbm>>, %arg6: memref<512xi32, #tpu.memory_space<vmem>>, %arg7: memref<16xf32, #tpu.memory_space<vmem>>, %arg8: memref<160x128xf32, #tpu.memory_space<vmem>>, %arg9: memref<160x128xf32, #tpu.memory_space<vmem>>, %arg10: memref<160x128xf32, #tpu.memory_space<vmem>>, %arg11: memref<160x128xf32, #tpu.memory_space<vmem>>, %arg12: memref<!tpu.dma_semaphore, #tpu.memory_space<semaphore_mem>>, %arg13: memref<!tpu.dma_semaphore, #tpu.memory_space<semaphore_mem>>) attributes {dimension_semantics = [#tpu.dimension_semantics<core_parallel>, #tpu.dimension_semantics<subcore_parallel>], iteration_bounds = array<i64: 2, 16>, scalar_prefetch = 0 : i64, scratch_operands = 8 : i64, tpu.core_type = #tpu.core_type<sc_vector_subcore>, window_params = [{transform_indices = #map}, {transform_indices = #map1}, {transform_indices = #map}, {transform_indices = #map}]} {
    %mul3A = arith.constant 2 : i32
    %mul3A_0 = arith.muli %arg1, %mul3A : i32
    %add3A = arith.addi %mul3A_0, %arg0 : i32
    %mul3A_1 = arith.constant 512 : i32
    %mul3A_2 = arith.muli %add3A, %mul3A_1 : i32
    %add3A_3 = arith.constant 0 : i32
    %add3A_4 = arith.addi %mul3A_2, %add3A_3 : i32
    %dma_start3A = arith.constant 0 : i32
    %dma_start3A_5 = arith.constant 0 : i32
    %dma_start3A_6 = tpu.memref_slice %arg8[%dma_start3A, %dma_start3A_5] : memref<160x128xf32, #tpu.memory_space<vmem>> -> memref<160x128xf32, #tpu.memory_space<vmem>>
    %dma_start3A_7 = arith.constant 0 : i32
    %dma_start3A_8 = tpu.memref_slice %arg2[%add3A_4, %dma_start3A_7] : memref<16384x128xf32, #tpu.memory_space<hbm>> -> memref<160x128xf32, #tpu.memory_space<hbm>>
    %dma_start3A_9 = arith.constant 0 : i32
    %dma_start3A_10 = arith.constant 0 : i32
    %dma_start3A_11 = tpu.memref_slice %arg8[%dma_start3A_9, %dma_start3A_10] : memref<160x128xf32, #tpu.memory_space<vmem>> -> memref<160x128xf32, #tpu.memory_space<vmem>>
    %dma_start3A_12 = arith.constant 0 : i32
    %dma_start3A_13 = tpu.memref_slice %arg2[%add3A_4, %dma_start3A_12] : memref<16384x128xf32, #tpu.memory_space<hbm>> -> memref<160x128xf32, #tpu.memory_space<hbm>>
    tpu.enqueue_dma source(%dma_start3A_13 : memref<160x128xf32, #tpu.memory_space<hbm>>) target(%dma_start3A_11 : memref<160x128xf32, #tpu.memory_space<vmem>>) target_semaphore(%arg12 : memref<!tpu.dma_semaphore, #tpu.memory_space<semaphore_mem>>)
    "tpu.region"() ({
      %run_scoped3A = tpu.sem_alloc : memref<!tpu.dma_semaphore, #tpu.memory_space<semaphore_mem>>
      %dma_start3A_193 = tpu.memref_slice %arg3[%mul3A_2] : memref<16384xi32, #tpu.memory_space<hbm>> -> memref<512xi32, #tpu.memory_space<hbm>>
      %dma_start3A_194 = tpu.memref_slice %arg3[%mul3A_2] : memref<16384xi32, #tpu.memory_space<hbm>> -> memref<512xi32, #tpu.memory_space<hbm>>
      tpu.enqueue_dma source(%dma_start3A_194 : memref<512xi32, #tpu.memory_space<hbm>>) target(%arg6 : memref<512xi32, #tpu.memory_space<vmem>>) target_semaphore(%run_scoped3A : memref<!tpu.dma_semaphore, #tpu.memory_space<semaphore_mem>>)
      %dma_wait3A_195 = tpu.memref_slice %arg3[%mul3A_2] : memref<16384xi32, #tpu.memory_space<hbm>> -> memref<512xi32, #tpu.memory_space<hbm>>
      %dma_wait3A_196 = tpu.memref_slice %arg3[%mul3A_2] : memref<16384xi32, #tpu.memory_space<hbm>> -> memref<512xi32, #tpu.memory_space<hbm>>
      tpu.wait_dma2 semaphore(%run_scoped3A : memref<!tpu.dma_semaphore, #tpu.memory_space<semaphore_mem>>) src(%dma_wait3A_196 : memref<512xi32, #tpu.memory_space<hbm>>) dst(%arg6 : memref<512xi32, #tpu.memory_space<vmem>>)
      tpu.yield
    }) : () -> ()
    %dma_start3A_14 = arith.constant 0 : i32
    %dma_start3A_15 = arith.constant 0 : i32
    %dma_start3A_16 = tpu.memref_slice %arg10[%dma_start3A_14, %dma_start3A_15] : memref<160x128xf32, #tpu.memory_space<vmem>> -> memref<160x128xf32, #tpu.memory_space<vmem>>
    %dma_start3A_17 = arith.constant 0 : i32
    %dma_start3A_18 = tpu.memref_slice %arg6[%dma_start3A_17] : memref<512xi32, #tpu.memory_space<vmem>> -> memref<160xi32, #tpu.memory_space<vmem>>
    %dma_start3A_19 = arith.constant 0 : i32
    %dma_start3A_20 = arith.constant 0 : i32
    %dma_start3A_21 = tpu.memref_slice %arg4[%dma_start3A_19, %dma_start3A_20] : memref<100000x128xf32, #tpu.memory_space<hbm>> -> memref<100000x128xf32, #tpu.memory_space<hbm>>
    tpu.enqueue_indirect_dma source(%dma_start3A_21 : memref<100000x128xf32, #tpu.memory_space<hbm>>) target(%dma_start3A_16 : memref<160x128xf32, #tpu.memory_space<vmem>>) offsets(%dma_start3A_18 : memref<160xi32, #tpu.memory_space<vmem>>) semaphore(%arg12 : memref<!tpu.dma_semaphore, #tpu.memory_space<semaphore_mem>>)
    %add3A_22 = arith.constant 160 : i32
    %add3A_23 = arith.addi %mul3A_2, %add3A_22 : i32
    %dma_start3A_24 = arith.constant 0 : i32
    %dma_start3A_25 = arith.constant 0 : i32
    %dma_start3A_26 = tpu.memref_slice %arg9[%dma_start3A_24, %dma_start3A_25] : memref<160x128xf32, #tpu.memory_space<vmem>> -> memref<160x128xf32, #tpu.memory_space<vmem>>
    %dma_start3A_27 = arith.constant 0 : i32
    %dma_start3A_28 = tpu.memref_slice %arg2[%add3A_23, %dma_start3A_27] : memref<16384x128xf32, #tpu.memory_space<hbm>> -> memref<160x128xf32, #tpu.memory_space<hbm>>
    %dma_start3A_29 = arith.constant 0 : i32
    %dma_start3A_30 = arith.constant 0 : i32
    %dma_start3A_31 = tpu.memref_slice %arg9[%dma_start3A_29, %dma_start3A_30] : memref<160x128xf32, #tpu.memory_space<vmem>> -> memref<160x128xf32, #tpu.memory_space<vmem>>
    %dma_start3A_32 = arith.constant 0 : i32
    %dma_start3A_33 = tpu.memref_slice %arg2[%add3A_23, %dma_start3A_32] : memref<16384x128xf32, #tpu.memory_space<hbm>> -> memref<160x128xf32, #tpu.memory_space<hbm>>
    tpu.enqueue_dma source(%dma_start3A_33 : memref<160x128xf32, #tpu.memory_space<hbm>>) target(%dma_start3A_31 : memref<160x128xf32, #tpu.memory_space<vmem>>) target_semaphore(%arg13 : memref<!tpu.dma_semaphore, #tpu.memory_space<semaphore_mem>>)
    %dma_start3A_34 = arith.constant 0 : i32
    %dma_start3A_35 = arith.constant 0 : i32
    %dma_start3A_36 = tpu.memref_slice %arg11[%dma_start3A_34, %dma_start3A_35] : memref<160x128xf32, #tpu.memory_space<vmem>> -> memref<160x128xf32, #tpu.memory_space<vmem>>
    %dma_start3A_37 = arith.constant 160 : i32
    %dma_start3A_38 = tpu.memref_slice %arg6[%dma_start3A_37] : memref<512xi32, #tpu.memory_space<vmem>> -> memref<160xi32, #tpu.memory_space<vmem>>
    %dma_start3A_39 = arith.constant 0 : i32
    %dma_start3A_40 = arith.constant 0 : i32
    %dma_start3A_41 = tpu.memref_slice %arg4[%dma_start3A_39, %dma_start3A_40] : memref<100000x128xf32, #tpu.memory_space<hbm>> -> memref<100000x128xf32, #tpu.memory_space<hbm>>
    tpu.enqueue_indirect_dma source(%dma_start3A_41 : memref<100000x128xf32, #tpu.memory_space<hbm>>) target(%dma_start3A_36 : memref<160x128xf32, #tpu.memory_space<vmem>>) offsets(%dma_start3A_38 : memref<160xi32, #tpu.memory_space<vmem>>) semaphore(%arg13 : memref<!tpu.dma_semaphore, #tpu.memory_space<semaphore_mem>>)
    %broadcast_in_dim3A = arith.constant 0.000000e+00 : f32
    %broadcast_in_dim3A_42 = vector.broadcast %broadcast_in_dim3A : f32 to vector<16xf32>
    %broadcast_in_dim3A_43 = arith.constant 0.000000e+00 : f32
    %broadcast_in_dim3A_44 = vector.broadcast %broadcast_in_dim3A_43 : f32 to vector<16xf32>
    %broadcast_in_dim3A_45 = arith.constant 0.000000e+00 : f32
    %broadcast_in_dim3A_46 = vector.broadcast %broadcast_in_dim3A_45 : f32 to vector<16xf32>
    %broadcast_in_dim3A_47 = arith.constant 0.000000e+00 : f32
    %broadcast_in_dim3A_48 = vector.broadcast %broadcast_in_dim3A_47 : f32 to vector<16xf32>
    %broadcast_in_dim3A_49 = arith.constant 0.000000e+00 : f32
    %broadcast_in_dim3A_50 = vector.broadcast %broadcast_in_dim3A_49 : f32 to vector<16xf32>
    %broadcast_in_dim3A_51 = arith.constant 0.000000e+00 : f32
    %broadcast_in_dim3A_52 = vector.broadcast %broadcast_in_dim3A_51 : f32 to vector<16xf32>
    %broadcast_in_dim3A_53 = arith.constant 0.000000e+00 : f32
    %broadcast_in_dim3A_54 = vector.broadcast %broadcast_in_dim3A_53 : f32 to vector<16xf32>
    %broadcast_in_dim3A_55 = arith.constant 0.000000e+00 : f32
    %broadcast_in_dim3A_56 = vector.broadcast %broadcast_in_dim3A_55 : f32 to vector<16xf32>
    %dma_wait3A = arith.constant 0 : i32
    %dma_wait3A_57 = arith.constant 0 : i32
    %dma_wait3A_58 = tpu.memref_slice %arg8[%dma_wait3A, %dma_wait3A_57] : memref<160x128xf32, #tpu.memory_space<vmem>> -> memref<160x128xf32, #tpu.memory_space<vmem>>
    %dma_wait3A_59 = arith.constant 0 : i32
    %dma_wait3A_60 = tpu.memref_slice %arg2[%add3A_4, %dma_wait3A_59] : memref<16384x128xf32, #tpu.memory_space<hbm>> -> memref<160x128xf32, #tpu.memory_space<hbm>>
    %dma_wait3A_61 = arith.constant 0 : i32
    %dma_wait3A_62 = arith.constant 0 : i32
    %dma_wait3A_63 = tpu.memref_slice %arg8[%dma_wait3A_61, %dma_wait3A_62] : memref<160x128xf32, #tpu.memory_space<vmem>> -> memref<160x128xf32, #tpu.memory_space<vmem>>
    %dma_wait3A_64 = arith.constant 0 : i32
    %dma_wait3A_65 = tpu.memref_slice %arg2[%add3A_4, %dma_wait3A_64] : memref<16384x128xf32, #tpu.memory_space<hbm>> -> memref<160x128xf32, #tpu.memory_space<hbm>>
    tpu.wait_dma2 semaphore(%arg12 : memref<!tpu.dma_semaphore, #tpu.memory_space<semaphore_mem>>) src(%dma_wait3A_65 : memref<160x128xf32, #tpu.memory_space<hbm>>) dst(%dma_wait3A_63 : memref<160x128xf32, #tpu.memory_space<vmem>>)
    %dma_wait3A_66 = arith.constant 0 : i32
    %dma_wait3A_67 = arith.constant 0 : i32
    %dma_wait3A_68 = tpu.memref_slice %arg10[%dma_wait3A_66, %dma_wait3A_67] : memref<160x128xf32, #tpu.memory_space<vmem>> -> memref<160x128xf32, #tpu.memory_space<vmem>>
    %dma_wait3A_69 = arith.constant 0 : i32
    %dma_wait3A_70 = tpu.memref_slice %arg6[%dma_wait3A_69] : memref<512xi32, #tpu.memory_space<vmem>> -> memref<160xi32, #tpu.memory_space<vmem>>
    %dma_wait3A_71 = arith.constant 0 : i32
    %dma_wait3A_72 = arith.constant 0 : i32
    %dma_wait3A_73 = tpu.memref_slice %arg4[%dma_wait3A_71, %dma_wait3A_72] : memref<100000x128xf32, #tpu.memory_space<hbm>> -> memref<100000x128xf32, #tpu.memory_space<hbm>>
    tpu.wait_indirect_dma semaphore(%arg12 : memref<!tpu.dma_semaphore, #tpu.memory_space<semaphore_mem>>) src(%dma_wait3A_73 : memref<100000x128xf32, #tpu.memory_space<hbm>>) dst(%dma_wait3A_68 : memref<160x128xf32, #tpu.memory_space<vmem>>)
    %add3A_74 = arith.constant 320 : i32
    %add3A_75 = arith.addi %mul3A_2, %add3A_74 : i32
    %dma_start3A_76 = arith.constant 0 : i32
    %dma_start3A_77 = arith.constant 0 : i32
    %dma_start3A_78 = tpu.memref_slice %arg8[%dma_start3A_76, %dma_start3A_77] : memref<160x128xf32, #tpu.memory_space<vmem>> -> memref<160x128xf32, #tpu.memory_space<vmem>>
    %dma_start3A_79 = arith.constant 0 : i32
    %dma_start3A_80 = tpu.memref_slice %arg2[%add3A_75, %dma_start3A_79] : memref<16384x128xf32, #tpu.memory_space<hbm>> -> memref<160x128xf32, #tpu.memory_space<hbm>>
    %dma_start3A_81 = arith.constant 0 : i32
    %dma_start3A_82 = arith.constant 0 : i32
    %dma_start3A_83 = tpu.memref_slice %arg8[%dma_start3A_81, %dma_start3A_82] : memref<160x128xf32, #tpu.memory_space<vmem>> -> memref<160x128xf32, #tpu.memory_space<vmem>>
    %dma_start3A_84 = arith.constant 0 : i32
    %dma_start3A_85 = tpu.memref_slice %arg2[%add3A_75, %dma_start3A_84] : memref<16384x128xf32, #tpu.memory_space<hbm>> -> memref<160x128xf32, #tpu.memory_space<hbm>>
    tpu.enqueue_dma source(%dma_start3A_85 : memref<160x128xf32, #tpu.memory_space<hbm>>) target(%dma_start3A_83 : memref<160x128xf32, #tpu.memory_space<vmem>>) target_semaphore(%arg12 : memref<!tpu.dma_semaphore, #tpu.memory_space<semaphore_mem>>)
    %dma_start3A_86 = arith.constant 0 : i32
    %dma_start3A_87 = arith.constant 0 : i32
    %dma_start3A_88 = tpu.memref_slice %arg10[%dma_start3A_86, %dma_start3A_87] : memref<160x128xf32, #tpu.memory_space<vmem>> -> memref<160x128xf32, #tpu.memory_space<vmem>>
    %dma_start3A_89 = arith.constant 320 : i32
    %dma_start3A_90 = tpu.memref_slice %arg6[%dma_start3A_89] : memref<512xi32, #tpu.memory_space<vmem>> -> memref<160xi32, #tpu.memory_space<vmem>>
    %dma_start3A_91 = arith.constant 0 : i32
    %dma_start3A_92 = arith.constant 0 : i32
    %dma_start3A_93 = tpu.memref_slice %arg4[%dma_start3A_91, %dma_start3A_92] : memref<100000x128xf32, #tpu.memory_space<hbm>> -> memref<100000x128xf32, #tpu.memory_space<hbm>>
    tpu.enqueue_indirect_dma source(%dma_start3A_93 : memref<100000x128xf32, #tpu.memory_space<hbm>>) target(%dma_start3A_88 : memref<160x128xf32, #tpu.memory_space<vmem>>) offsets(%dma_start3A_90 : memref<160xi32, #tpu.memory_space<vmem>>) semaphore(%arg12 : memref<!tpu.dma_semaphore, #tpu.memory_space<semaphore_mem>>)
    %parallel_loop3A = arith.constant 0 : i32
    %parallel_loop3A_94 = arith.constant 160 : i32
    %parallel_loop3A_95 = arith.constant 1 : i32
    %parallel_loop3A_96:8 = scf.for %parallel_loop3A_193 = %parallel_loop3A to %parallel_loop3A_94 step %parallel_loop3A_95 iter_args(%parallel_loop3A_194 = %broadcast_in_dim3A_42, %parallel_loop3A_195 = %broadcast_in_dim3A_44, %parallel_loop3A_196 = %broadcast_in_dim3A_46, %parallel_loop3A_197 = %broadcast_in_dim3A_48, %parallel_loop3A_198 = %broadcast_in_dim3A_50, %parallel_loop3A_199 = %broadcast_in_dim3A_52, %parallel_loop3A_200 = %broadcast_in_dim3A_54, %parallel_loop3A_201 = %broadcast_in_dim3A_56) -> (vector<16xf32>, vector<16xf32>, vector<16xf32>, vector<16xf32>, vector<16xf32>, vector<16xf32>, vector<16xf32>, vector<16xf32>)  : i32 {
      %parallel_loop3A_202 = arith.index_cast %parallel_loop3A_193 : i32 to index
      %parallel_loop3A_203 = arith.constant 0 : index
      %parallel_loop3A_204 = tpu.vector_load %arg8[%parallel_loop3A_202, %parallel_loop3A_203] {strides = array<i32>} : memref<160x128xf32, #tpu.memory_space<vmem>>, vector<1x16xf32>,
      %parallel_loop3A_205 = vector.shape_cast %parallel_loop3A_204 : vector<1x16xf32> to vector<16xf32>
      %parallel_loop3A_206 = arith.index_cast %parallel_loop3A_193 : i32 to index
      %parallel_loop3A_207 = arith.constant 0 : index
      %parallel_loop3A_208 = tpu.vector_load %arg10[%parallel_loop3A_206, %parallel_loop3A_207] {strides = array<i32>} : memref<160x128xf32, #tpu.memory_space<vmem>>, vector<1x16xf32>,
      %parallel_loop3A_209 = vector.shape_cast %parallel_loop3A_208 : vector<1x16xf32> to vector<16xf32>
      %parallel_loop3A_210 = arith.subf %parallel_loop3A_205, %parallel_loop3A_209 : vector<16xf32>
      %parallel_loop3A_211 = arith.mulf %parallel_loop3A_210, %parallel_loop3A_210 : vector<16xf32>
      %parallel_loop3A_212 = arith.addf %parallel_loop3A_194, %parallel_loop3A_211 : vector<16xf32>
      %parallel_loop3A_213 = arith.index_cast %parallel_loop3A_193 : i32 to index
      %parallel_loop3A_214 = arith.constant 16 : index
      %parallel_loop3A_215 = tpu.vector_load %arg8[%parallel_loop3A_213, %parallel_loop3A_214] {strides = array<i32>} : memref<160x128xf32, #tpu.memory_space<vmem>>, vector<1x16xf32>,
      %parallel_loop3A_216 = vector.shape_cast %parallel_loop3A_215 : vector<1x16xf32> to vector<16xf32>
      %parallel_loop3A_217 = arith.index_cast %parallel_loop3A_193 : i32 to index
      %parallel_loop3A_218 = arith.constant 16 : index
      %parallel_loop3A_219 = tpu.vector_load %arg10[%parallel_loop3A_217, %parallel_loop3A_218] {strides = array<i32>} : memref<160x128xf32, #tpu.memory_space<vmem>>, vector<1x16xf32>,
      %parallel_loop3A_220 = vector.shape_cast %parallel_loop3A_219 : vector<1x16xf32> to vector<16xf32>
      %parallel_loop3A_221 = arith.subf %parallel_loop3A_216, %parallel_loop3A_220 : vector<16xf32>
      %parallel_loop3A_222 = arith.mulf %parallel_loop3A_221, %parallel_loop3A_221 : vector<16xf32>
      %parallel_loop3A_223 = arith.addf %parallel_loop3A_195, %parallel_loop3A_222 : vector<16xf32>
      %parallel_loop3A_224 = arith.index_cast %parallel_loop3A_193 : i32 to index
      %parallel_loop3A_225 = arith.constant 32 : index
      %parallel_loop3A_226 = tpu.vector_load %arg8[%parallel_loop3A_224, %parallel_loop3A_225] {strides = array<i32>} : memref<160x128xf32, #tpu.memory_space<vmem>>, vector<1x16xf32>,
      %parallel_loop3A_227 = vector.shape_cast %parallel_loop3A_226 : vector<1x16xf32> to vector<16xf32>
      %parallel_loop3A_228 = arith.index_cast %parallel_loop3A_193 : i32 to index
      %parallel_loop3A_229 = arith.constant 32 : index
      %parallel_loop3A_230 = tpu.vector_load %arg10[%parallel_loop3A_228, %parallel_loop3A_229] {strides = array<i32>} : memref<160x128xf32, #tpu.memory_space<vmem>>, vector<1x16xf32>,
      %parallel_loop3A_231 = vector.shape_cast %parallel_loop3A_230 : vector<1x16xf32> to vector<16xf32>
      %parallel_loop3A_232 = arith.subf %parallel_loop3A_227, %parallel_loop3A_231 : vector<16xf32>
      %parallel_loop3A_233 = arith.mulf %parallel_loop3A_232, %parallel_loop3A_232 : vector<16xf32>
      %parallel_loop3A_234 = arith.addf %parallel_loop3A_196, %parallel_loop3A_233 : vector<16xf32>
      %parallel_loop3A_235 = arith.index_cast %parallel_loop3A_193 : i32 to index
      %parallel_loop3A_236 = arith.constant 48 : index
      %parallel_loop3A_237 = tpu.vector_load %arg8[%parallel_loop3A_235, %parallel_loop3A_236] {strides = array<i32>} : memref<160x128xf32, #tpu.memory_space<vmem>>, vector<1x16xf32>,
      %parallel_loop3A_238 = vector.shape_cast %parallel_loop3A_237 : vector<1x16xf32> to vector<16xf32>
      %parallel_loop3A_239 = arith.index_cast %parallel_loop3A_193 : i32 to index
      %parallel_loop3A_240 = arith.constant 48 : index
      %parallel_loop3A_241 = tpu.vector_load %arg10[%parallel_loop3A_239, %parallel_loop3A_240] {strides = array<i32>} : memref<160x128xf32, #tpu.memory_space<vmem>>, vector<1x16xf32>,
      %parallel_loop3A_242 = vector.shape_cast %parallel_loop3A_241 : vector<1x16xf32> to vector<16xf32>
      %parallel_loop3A_243 = arith.subf %parallel_loop3A_238, %parallel_loop3A_242 : vector<16xf32>
      %parallel_loop3A_244 = arith.mulf %parallel_loop3A_243, %parallel_loop3A_243 : vector<16xf32>
      %parallel_loop3A_245 = arith.addf %parallel_loop3A_197, %parallel_loop3A_244 : vector<16xf32>
      %parallel_loop3A_246 = arith.index_cast %parallel_loop3A_193 : i32 to index
      %parallel_loop3A_247 = arith.constant 64 : index
      %parallel_loop3A_248 = tpu.vector_load %arg8[%parallel_loop3A_246, %parallel_loop3A_247] {strides = array<i32>} : memref<160x128xf32, #tpu.memory_space<vmem>>, vector<1x16xf32>,
      %parallel_loop3A_249 = vector.shape_cast %parallel_loop3A_248 : vector<1x16xf32> to vector<16xf32>
      %parallel_loop3A_250 = arith.index_cast %parallel_loop3A_193 : i32 to index
      %parallel_loop3A_251 = arith.constant 64 : index
      %parallel_loop3A_252 = tpu.vector_load %arg10[%parallel_loop3A_250, %parallel_loop3A_251] {strides = array<i32>} : memref<160x128xf32, #tpu.memory_space<vmem>>, vector<1x16xf32>,
      %parallel_loop3A_253 = vector.shape_cast %parallel_loop3A_252 : vector<1x16xf32> to vector<16xf32>
      %parallel_loop3A_254 = arith.subf %parallel_loop3A_249, %parallel_loop3A_253 : vector<16xf32>
      %parallel_loop3A_255 = arith.mulf %parallel_loop3A_254, %parallel_loop3A_254 : vector<16xf32>
      %parallel_loop3A_256 = arith.addf %parallel_loop3A_198, %parallel_loop3A_255 : vector<16xf32>
      %parallel_loop3A_257 = arith.index_cast %parallel_loop3A_193 : i32 to index
      %parallel_loop3A_258 = arith.constant 80 : index
      %parallel_loop3A_259 = tpu.vector_load %arg8[%parallel_loop3A_257, %parallel_loop3A_258] {strides = array<i32>} : memref<160x128xf32, #tpu.memory_space<vmem>>, vector<1x16xf32>,
      %parallel_loop3A_260 = vector.shape_cast %parallel_loop3A_259 : vector<1x16xf32> to vector<16xf32>
      %parallel_loop3A_261 = arith.index_cast %parallel_loop3A_193 : i32 to index
      %parallel_loop3A_262 = arith.constant 80 : index
      %parallel_loop3A_263 = tpu.vector_load %arg10[%parallel_loop3A_261, %parallel_loop3A_262] {strides = array<i32>} : memref<160x128xf32, #tpu.memory_space<vmem>>, vector<1x16xf32>,
      %parallel_loop3A_264 = vector.shape_cast %parallel_loop3A_263 : vector<1x16xf32> to vector<16xf32>
      %parallel_loop3A_265 = arith.subf %parallel_loop3A_260, %parallel_loop3A_264 : vector<16xf32>
      %parallel_loop3A_266 = arith.mulf %parallel_loop3A_265, %parallel_loop3A_265 : vector<16xf32>
      %parallel_loop3A_267 = arith.addf %parallel_loop3A_199, %parallel_loop3A_266 : vector<16xf32>
      %parallel_loop3A_268 = arith.index_cast %parallel_loop3A_193 : i32 to index
      %parallel_loop3A_269 = arith.constant 96 : index
      %parallel_loop3A_270 = tpu.vector_load %arg8[%parallel_loop3A_268, %parallel_loop3A_269] {strides = array<i32>} : memref<160x128xf32, #tpu.memory_space<vmem>>, vector<1x16xf32>,
      %parallel_loop3A_271 = vector.shape_cast %parallel_loop3A_270 : vector<1x16xf32> to vector<16xf32>
      %parallel_loop3A_272 = arith.index_cast %parallel_loop3A_193 : i32 to index
      %parallel_loop3A_273 = arith.constant 96 : index
      %parallel_loop3A_274 = tpu.vector_load %arg10[%parallel_loop3A_272, %parallel_loop3A_273] {strides = array<i32>} : memref<160x128xf32, #tpu.memory_space<vmem>>, vector<1x16xf32>,
      %parallel_loop3A_275 = vector.shape_cast %parallel_loop3A_274 : vector<1x16xf32> to vector<16xf32>
      %parallel_loop3A_276 = arith.subf %parallel_loop3A_271, %parallel_loop3A_275 : vector<16xf32>
      %parallel_loop3A_277 = arith.mulf %parallel_loop3A_276, %parallel_loop3A_276 : vector<16xf32>
      %parallel_loop3A_278 = arith.addf %parallel_loop3A_200, %parallel_loop3A_277 : vector<16xf32>
      %parallel_loop3A_279 = arith.index_cast %parallel_loop3A_193 : i32 to index
      %parallel_loop3A_280 = arith.constant 112 : index
      %parallel_loop3A_281 = tpu.vector_load %arg8[%parallel_loop3A_279, %parallel_loop3A_280] {strides = array<i32>} : memref<160x128xf32, #tpu.memory_space<vmem>>, vector<1x16xf32>,
      %parallel_loop3A_282 = vector.shape_cast %parallel_loop3A_281 : vector<1x16xf32> to vector<16xf32>
      %parallel_loop3A_283 = arith.index_cast %parallel_loop3A_193 : i32 to index
      %parallel_loop3A_284 = arith.constant 112 : index
      %parallel_loop3A_285 = tpu.vector_load %arg10[%parallel_loop3A_283, %parallel_loop3A_284] {strides = array<i32>} : memref<160x128xf32, #tpu.memory_space<vmem>>, vector<1x16xf32>,
      %parallel_loop3A_286 = vector.shape_cast %parallel_loop3A_285 : vector<1x16xf32> to vector<16xf32>
      %parallel_loop3A_287 = arith.subf %parallel_loop3A_282, %parallel_loop3A_286 : vector<16xf32>
      %parallel_loop3A_288 = arith.mulf %parallel_loop3A_287, %parallel_loop3A_287 : vector<16xf32>
      %parallel_loop3A_289 = arith.addf %parallel_loop3A_201, %parallel_loop3A_288 : vector<16xf32>
      scf.yield %parallel_loop3A_212, %parallel_loop3A_223, %parallel_loop3A_234, %parallel_loop3A_245, %parallel_loop3A_256, %parallel_loop3A_267, %parallel_loop3A_278, %parallel_loop3A_289 : vector<16xf32>, vector<16xf32>, vector<16xf32>, vector<16xf32>, vector<16xf32>, vector<16xf32>, vector<16xf32>, vector<16xf32>
    } {sc.loop_unroll_factor = 4 : i64, sc.parallel_access}
    %dma_wait3A_97 = arith.constant 0 : i32
    %dma_wait3A_98 = arith.constant 0 : i32
    %dma_wait3A_99 = tpu.memref_slice %arg9[%dma_wait3A_97, %dma_wait3A_98] : memref<160x128xf32, #tpu.memory_space<vmem>> -> memref<160x128xf32, #tpu.memory_space<vmem>>
    %dma_wait3A_100 = arith.constant 0 : i32
    %dma_wait3A_101 = tpu.memref_slice %arg2[%add3A_23, %dma_wait3A_100] : memref<16384x128xf32, #tpu.memory_space<hbm>> -> memref<160x128xf32, #tpu.memory_space<hbm>>
    %dma_wait3A_102 = arith.constant 0 : i32
    %dma_wait3A_103 = arith.constant 0 : i32
    %dma_wait3A_104 = tpu.memref_slice %arg9[%dma_wait3A_102, %dma_wait3A_103] : memref<160x128xf32, #tpu.memory_space<vmem>> -> memref<160x128xf32, #tpu.memory_space<vmem>>
    %dma_wait3A_105 = arith.constant 0 : i32
    %dma_wait3A_106 = tpu.memref_slice %arg2[%add3A_23, %dma_wait3A_105] : memref<16384x128xf32, #tpu.memory_space<hbm>> -> memref<160x128xf32, #tpu.memory_space<hbm>>
    tpu.wait_dma2 semaphore(%arg13 : memref<!tpu.dma_semaphore, #tpu.memory_space<semaphore_mem>>) src(%dma_wait3A_106 : memref<160x128xf32, #tpu.memory_space<hbm>>) dst(%dma_wait3A_104 : memref<160x128xf32, #tpu.memory_space<vmem>>)
    %dma_wait3A_107 = arith.constant 0 : i32
    %dma_wait3A_108 = arith.constant 0 : i32
    %dma_wait3A_109 = tpu.memref_slice %arg11[%dma_wait3A_107, %dma_wait3A_108] : memref<160x128xf32, #tpu.memory_space<vmem>> -> memref<160x128xf32, #tpu.memory_space<vmem>>
    %dma_wait3A_110 = arith.constant 160 : i32
    %dma_wait3A_111 = tpu.memref_slice %arg6[%dma_wait3A_110] : memref<512xi32, #tpu.memory_space<vmem>> -> memref<160xi32, #tpu.memory_space<vmem>>
    %dma_wait3A_112 = arith.constant 0 : i32
    %dma_wait3A_113 = arith.constant 0 : i32
    %dma_wait3A_114 = tpu.memref_slice %arg4[%dma_wait3A_112, %dma_wait3A_113] : memref<100000x128xf32, #tpu.memory_space<hbm>> -> memref<100000x128xf32, #tpu.memory_space<hbm>>
    tpu.wait_indirect_dma semaphore(%arg13 : memref<!tpu.dma_semaphore, #tpu.memory_space<semaphore_mem>>) src(%dma_wait3A_114 : memref<100000x128xf32, #tpu.memory_space<hbm>>) dst(%dma_wait3A_109 : memref<160x128xf32, #tpu.memory_space<vmem>>)
    %add3A_115 = arith.constant 480 : i32
    %add3A_116 = arith.addi %mul3A_2, %add3A_115 : i32
    %dma_start3A_117 = arith.constant 0 : i32
    %dma_start3A_118 = arith.constant 0 : i32
    %dma_start3A_119 = tpu.memref_slice %arg9[%dma_start3A_117, %dma_start3A_118] : memref<160x128xf32, #tpu.memory_space<vmem>> -> memref<32x128xf32, #tpu.memory_space<vmem>>
    %dma_start3A_120 = arith.constant 0 : i32
    %dma_start3A_121 = tpu.memref_slice %arg2[%add3A_116, %dma_start3A_120] : memref<16384x128xf32, #tpu.memory_space<hbm>> -> memref<32x128xf32, #tpu.memory_space<hbm>>
    %dma_start3A_122 = arith.constant 0 : i32
    %dma_start3A_123 = arith.constant 0 : i32
    %dma_start3A_124 = tpu.memref_slice %arg9[%dma_start3A_122, %dma_start3A_123] : memref<160x128xf32, #tpu.memory_space<vmem>> -> memref<32x128xf32, #tpu.memory_space<vmem>>
    %dma_start3A_125 = arith.constant 0 : i32
    %dma_start3A_126 = tpu.memref_slice %arg2[%add3A_116, %dma_start3A_125] : memref<16384x128xf32, #tpu.memory_space<hbm>> -> memref<32x128xf32, #tpu.memory_space<hbm>>
    tpu.enqueue_dma source(%dma_start3A_126 : memref<32x128xf32, #tpu.memory_space<hbm>>) target(%dma_start3A_124 : memref<32x128xf32, #tpu.memory_space<vmem>>) target_semaphore(%arg13 : memref<!tpu.dma_semaphore, #tpu.memory_space<semaphore_mem>>)
    %dma_start3A_127 = arith.constant 0 : i32
    %dma_start3A_128 = arith.constant 0 : i32
    %dma_start3A_129 = tpu.memref_slice %arg11[%dma_start3A_127, %dma_start3A_128] : memref<160x128xf32, #tpu.memory_space<vmem>> -> memref<32x128xf32, #tpu.memory_space<vmem>>
    %dma_start3A_130 = arith.constant 480 : i32
    %dma_start3A_131 = tpu.memref_slice %arg6[%dma_start3A_130] : memref<512xi32, #tpu.memory_space<vmem>> -> memref<32xi32, #tpu.memory_space<vmem>>
    %dma_start3A_132 = arith.constant 0 : i32
    %dma_start3A_133 = arith.constant 0 : i32
    %dma_start3A_134 = tpu.memref_slice %arg4[%dma_start3A_132, %dma_start3A_133] : memref<100000x128xf32, #tpu.memory_space<hbm>> -> memref<100000x128xf32, #tpu.memory_space<hbm>>
    tpu.enqueue_indirect_dma source(%dma_start3A_134 : memref<100000x128xf32, #tpu.memory_space<hbm>>) target(%dma_start3A_129 : memref<32x128xf32, #tpu.memory_space<vmem>>) offsets(%dma_start3A_131 : memref<32xi32, #tpu.memory_space<vmem>>) semaphore(%arg13 : memref<!tpu.dma_semaphore, #tpu.memory_space<semaphore_mem>>)
    %parallel_loop3A_135 = arith.constant 0 : i32
    %parallel_loop3A_136 = arith.constant 160 : i32
    %parallel_loop3A_137 = arith.constant 1 : i32
    %parallel_loop3A_138:8 = scf.for %parallel_loop3A_193 = %parallel_loop3A_135 to %parallel_loop3A_136 step %parallel_loop3A_137 iter_args(%parallel_loop3A_194 = %parallel_loop3A_96#0, %parallel_loop3A_195 = %parallel_loop3A_96#1, %parallel_loop3A_196 = %parallel_loop3A_96#2, %parallel_loop3A_197 = %parallel_loop3A_96#3, %parallel_loop3A_198 = %parallel_loop3A_96#4, %parallel_loop3A_199 = %parallel_loop3A_96#5, %parallel_loop3A_200 = %parallel_loop3A_96#6, %parallel_loop3A_201 = %parallel_loop3A_96#7) -> (vector<16xf32>, vector<16xf32>, vector<16xf32>, vector<16xf32>, vector<16xf32>, vector<16xf32>, vector<16xf32>, vector<16xf32>)  : i32 {
      %parallel_loop3A_202 = arith.index_cast %parallel_loop3A_193 : i32 to index
      %parallel_loop3A_203 = arith.constant 0 : index
      %parallel_loop3A_204 = tpu.vector_load %arg9[%parallel_loop3A_202, %parallel_loop3A_203] {strides = array<i32>} : memref<160x128xf32, #tpu.memory_space<vmem>>, vector<1x16xf32>,
      %parallel_loop3A_205 = vector.shape_cast %parallel_loop3A_204 : vector<1x16xf32> to vector<16xf32>
      %parallel_loop3A_206 = arith.index_cast %parallel_loop3A_193 : i32 to index
      %parallel_loop3A_207 = arith.constant 0 : index
      %parallel_loop3A_208 = tpu.vector_load %arg11[%parallel_loop3A_206, %parallel_loop3A_207] {strides = array<i32>} : memref<160x128xf32, #tpu.memory_space<vmem>>, vector<1x16xf32>,
      %parallel_loop3A_209 = vector.shape_cast %parallel_loop3A_208 : vector<1x16xf32> to vector<16xf32>
      %parallel_loop3A_210 = arith.subf %parallel_loop3A_205, %parallel_loop3A_209 : vector<16xf32>
      %parallel_loop3A_211 = arith.mulf %parallel_loop3A_210, %parallel_loop3A_210 : vector<16xf32>
      %parallel_loop3A_212 = arith.addf %parallel_loop3A_194, %parallel_loop3A_211 : vector<16xf32>
      %parallel_loop3A_213 = arith.index_cast %parallel_loop3A_193 : i32 to index
      %parallel_loop3A_214 = arith.constant 16 : index
      %parallel_loop3A_215 = tpu.vector_load %arg9[%parallel_loop3A_213, %parallel_loop3A_214] {strides = array<i32>} : memref<160x128xf32, #tpu.memory_space<vmem>>, vector<1x16xf32>,
      %parallel_loop3A_216 = vector.shape_cast %parallel_loop3A_215 : vector<1x16xf32> to vector<16xf32>
      %parallel_loop3A_217 = arith.index_cast %parallel_loop3A_193 : i32 to index
      %parallel_loop3A_218 = arith.constant 16 : index
      %parallel_loop3A_219 = tpu.vector_load %arg11[%parallel_loop3A_217, %parallel_loop3A_218] {strides = array<i32>} : memref<160x128xf32, #tpu.memory_space<vmem>>, vector<1x16xf32>,
      %parallel_loop3A_220 = vector.shape_cast %parallel_loop3A_219 : vector<1x16xf32> to vector<16xf32>
      %parallel_loop3A_221 = arith.subf %parallel_loop3A_216, %parallel_loop3A_220 : vector<16xf32>
      %parallel_loop3A_222 = arith.mulf %parallel_loop3A_221, %parallel_loop3A_221 : vector<16xf32>
      %parallel_loop3A_223 = arith.addf %parallel_loop3A_195, %parallel_loop3A_222 : vector<16xf32>
      %parallel_loop3A_224 = arith.index_cast %parallel_loop3A_193 : i32 to index
      %parallel_loop3A_225 = arith.constant 32 : index
      %parallel_loop3A_226 = tpu.vector_load %arg9[%parallel_loop3A_224, %parallel_loop3A_225] {strides = array<i32>} : memref<160x128xf32, #tpu.memory_space<vmem>>, vector<1x16xf32>,
      %parallel_loop3A_227 = vector.shape_cast %parallel_loop3A_226 : vector<1x16xf32> to vector<16xf32>
      %parallel_loop3A_228 = arith.index_cast %parallel_loop3A_193 : i32 to index
      %parallel_loop3A_229 = arith.constant 32 : index
      %parallel_loop3A_230 = tpu.vector_load %arg11[%parallel_loop3A_228, %parallel_loop3A_229] {strides = array<i32>} : memref<160x128xf32, #tpu.memory_space<vmem>>, vector<1x16xf32>,
      %parallel_loop3A_231 = vector.shape_cast %parallel_loop3A_230 : vector<1x16xf32> to vector<16xf32>
      %parallel_loop3A_232 = arith.subf %parallel_loop3A_227, %parallel_loop3A_231 : vector<16xf32>
      %parallel_loop3A_233 = arith.mulf %parallel_loop3A_232, %parallel_loop3A_232 : vector<16xf32>
      %parallel_loop3A_234 = arith.addf %parallel_loop3A_196, %parallel_loop3A_233 : vector<16xf32>
      %parallel_loop3A_235 = arith.index_cast %parallel_loop3A_193 : i32 to index
      %parallel_loop3A_236 = arith.constant 48 : index
      %parallel_loop3A_237 = tpu.vector_load %arg9[%parallel_loop3A_235, %parallel_loop3A_236] {strides = array<i32>} : memref<160x128xf32, #tpu.memory_space<vmem>>, vector<1x16xf32>,
      %parallel_loop3A_238 = vector.shape_cast %parallel_loop3A_237 : vector<1x16xf32> to vector<16xf32>
      %parallel_loop3A_239 = arith.index_cast %parallel_loop3A_193 : i32 to index
      %parallel_loop3A_240 = arith.constant 48 : index
      %parallel_loop3A_241 = tpu.vector_load %arg11[%parallel_loop3A_239, %parallel_loop3A_240] {strides = array<i32>} : memref<160x128xf32, #tpu.memory_space<vmem>>, vector<1x16xf32>,
      %parallel_loop3A_242 = vector.shape_cast %parallel_loop3A_241 : vector<1x16xf32> to vector<16xf32>
      %parallel_loop3A_243 = arith.subf %parallel_loop3A_238, %parallel_loop3A_242 : vector<16xf32>
      %parallel_loop3A_244 = arith.mulf %parallel_loop3A_243, %parallel_loop3A_243 : vector<16xf32>
      %parallel_loop3A_245 = arith.addf %parallel_loop3A_197, %parallel_loop3A_244 : vector<16xf32>
      %parallel_loop3A_246 = arith.index_cast %parallel_loop3A_193 : i32 to index
      %parallel_loop3A_247 = arith.constant 64 : index
      %parallel_loop3A_248 = tpu.vector_load %arg9[%parallel_loop3A_246, %parallel_loop3A_247] {strides = array<i32>} : memref<160x128xf32, #tpu.memory_space<vmem>>, vector<1x16xf32>,
      %parallel_loop3A_249 = vector.shape_cast %parallel_loop3A_248 : vector<1x16xf32> to vector<16xf32>
      %parallel_loop3A_250 = arith.index_cast %parallel_loop3A_193 : i32 to index
      %parallel_loop3A_251 = arith.constant 64 : index
      %parallel_loop3A_252 = tpu.vector_load %arg11[%parallel_loop3A_250, %parallel_loop3A_251] {strides = array<i32>} : memref<160x128xf32, #tpu.memory_space<vmem>>, vector<1x16xf32>,
      %parallel_loop3A_253 = vector.shape_cast %parallel_loop3A_252 : vector<1x16xf32> to vector<16xf32>
      %parallel_loop3A_254 = arith.subf %parallel_loop3A_249, %parallel_loop3A_253 : vector<16xf32>
      %parallel_loop3A_255 = arith.mulf %parallel_loop3A_254, %parallel_loop3A_254 : vector<16xf32>
      %parallel_loop3A_256 = arith.addf %parallel_loop3A_198, %parallel_loop3A_255 : vector<16xf32>
      %parallel_loop3A_257 = arith.index_cast %parallel_loop3A_193 : i32 to index
      %parallel_loop3A_258 = arith.constant 80 : index
      %parallel_loop3A_259 = tpu.vector_load %arg9[%parallel_loop3A_257, %parallel_loop3A_258] {strides = array<i32>} : memref<160x128xf32, #tpu.memory_space<vmem>>, vector<1x16xf32>,
      %parallel_loop3A_260 = vector.shape_cast %parallel_loop3A_259 : vector<1x16xf32> to vector<16xf32>
      %parallel_loop3A_261 = arith.index_cast %parallel_loop3A_193 : i32 to index
      %parallel_loop3A_262 = arith.constant 80 : index
      %parallel_loop3A_263 = tpu.vector_load %arg11[%parallel_loop3A_261, %parallel_loop3A_262] {strides = array<i32>} : memref<160x128xf32, #tpu.memory_space<vmem>>, vector<1x16xf32>,
      %parallel_loop3A_264 = vector.shape_cast %parallel_loop3A_263 : vector<1x16xf32> to vector<16xf32>
      %parallel_loop3A_265 = arith.subf %parallel_loop3A_260, %parallel_loop3A_264 : vector<16xf32>
      %parallel_loop3A_266 = arith.mulf %parallel_loop3A_265, %parallel_loop3A_265 : vector<16xf32>
      %parallel_loop3A_267 = arith.addf %parallel_loop3A_199, %parallel_loop3A_266 : vector<16xf32>
      %parallel_loop3A_268 = arith.index_cast %parallel_loop3A_193 : i32 to index
      %parallel_loop3A_269 = arith.constant 96 : index
      %parallel_loop3A_270 = tpu.vector_load %arg9[%parallel_loop3A_268, %parallel_loop3A_269] {strides = array<i32>} : memref<160x128xf32, #tpu.memory_space<vmem>>, vector<1x16xf32>,
      %parallel_loop3A_271 = vector.shape_cast %parallel_loop3A_270 : vector<1x16xf32> to vector<16xf32>
      %parallel_loop3A_272 = arith.index_cast %parallel_loop3A_193 : i32 to index
      %parallel_loop3A_273 = arith.constant 96 : index
      %parallel_loop3A_274 = tpu.vector_load %arg11[%parallel_loop3A_272, %parallel_loop3A_273] {strides = array<i32>} : memref<160x128xf32, #tpu.memory_space<vmem>>, vector<1x16xf32>,
      %parallel_loop3A_275 = vector.shape_cast %parallel_loop3A_274 : vector<1x16xf32> to vector<16xf32>
      %parallel_loop3A_276 = arith.subf %parallel_loop3A_271, %parallel_loop3A_275 : vector<16xf32>
      %parallel_loop3A_277 = arith.mulf %parallel_loop3A_276, %parallel_loop3A_276 : vector<16xf32>
      %parallel_loop3A_278 = arith.addf %parallel_loop3A_200, %parallel_loop3A_277 : vector<16xf32>
      %parallel_loop3A_279 = arith.index_cast %parallel_loop3A_193 : i32 to index
      %parallel_loop3A_280 = arith.constant 112 : index
      %parallel_loop3A_281 = tpu.vector_load %arg9[%parallel_loop3A_279, %parallel_loop3A_280] {strides = array<i32>} : memref<160x128xf32, #tpu.memory_space<vmem>>, vector<1x16xf32>,
      %parallel_loop3A_282 = vector.shape_cast %parallel_loop3A_281 : vector<1x16xf32> to vector<16xf32>
      %parallel_loop3A_283 = arith.index_cast %parallel_loop3A_193 : i32 to index
      %parallel_loop3A_284 = arith.constant 112 : index
      %parallel_loop3A_285 = tpu.vector_load %arg11[%parallel_loop3A_283, %parallel_loop3A_284] {strides = array<i32>} : memref<160x128xf32, #tpu.memory_space<vmem>>, vector<1x16xf32>,
      %parallel_loop3A_286 = vector.shape_cast %parallel_loop3A_285 : vector<1x16xf32> to vector<16xf32>
      %parallel_loop3A_287 = arith.subf %parallel_loop3A_282, %parallel_loop3A_286 : vector<16xf32>
      %parallel_loop3A_288 = arith.mulf %parallel_loop3A_287, %parallel_loop3A_287 : vector<16xf32>
      %parallel_loop3A_289 = arith.addf %parallel_loop3A_201, %parallel_loop3A_288 : vector<16xf32>
      scf.yield %parallel_loop3A_212, %parallel_loop3A_223, %parallel_loop3A_234, %parallel_loop3A_245, %parallel_loop3A_256, %parallel_loop3A_267, %parallel_loop3A_278, %parallel_loop3A_289 : vector<16xf32>, vector<16xf32>, vector<16xf32>, vector<16xf32>, vector<16xf32>, vector<16xf32>, vector<16xf32>, vector<16xf32>
    } {sc.loop_unroll_factor = 4 : i64, sc.parallel_access}
    %dma_wait3A_139 = arith.constant 0 : i32
    %dma_wait3A_140 = arith.constant 0 : i32
    %dma_wait3A_141 = tpu.memref_slice %arg8[%dma_wait3A_139, %dma_wait3A_140] : memref<160x128xf32, #tpu.memory_space<vmem>> -> memref<160x128xf32, #tpu.memory_space<vmem>>
    %dma_wait3A_142 = arith.constant 0 : i32
    %dma_wait3A_143 = tpu.memref_slice %arg2[%add3A_75, %dma_wait3A_142] : memref<16384x128xf32, #tpu.memory_space<hbm>> -> memref<160x128xf32, #tpu.memory_space<hbm>>
    %dma_wait3A_144 = arith.constant 0 : i32
    %dma_wait3A_145 = arith.constant 0 : i32
    %dma_wait3A_146 = tpu.memref_slice %arg8[%dma_wait3A_144, %dma_wait3A_145] : memref<160x128xf32, #tpu.memory_space<vmem>> -> memref<160x128xf32, #tpu.memory_space<vmem>>
    %dma_wait3A_147 = arith.constant 0 : i32
    %dma_wait3A_148 = tpu.memref_slice %arg2[%add3A_75, %dma_wait3A_147] : memref<16384x128xf32, #tpu.memory_space<hbm>> -> memref<160x128xf32, #tpu.memory_space<hbm>>
    tpu.wait_dma2 semaphore(%arg12 : memref<!tpu.dma_semaphore, #tpu.memory_space<semaphore_mem>>) src(%dma_wait3A_148 : memref<160x128xf32, #tpu.memory_space<hbm>>) dst(%dma_wait3A_146 : memref<160x128xf32, #tpu.memory_space<vmem>>)
    %dma_wait3A_149 = arith.constant 0 : i32
    %dma_wait3A_150 = arith.constant 0 : i32
    %dma_wait3A_151 = tpu.memref_slice %arg10[%dma_wait3A_149, %dma_wait3A_150] : memref<160x128xf32, #tpu.memory_space<vmem>> -> memref<160x128xf32, #tpu.memory_space<vmem>>
    %dma_wait3A_152 = arith.constant 320 : i32
    %dma_wait3A_153 = tpu.memref_slice %arg6[%dma_wait3A_152] : memref<512xi32, #tpu.memory_space<vmem>> -> memref<160xi32, #tpu.memory_space<vmem>>
    %dma_wait3A_154 = arith.constant 0 : i32
    %dma_wait3A_155 = arith.constant 0 : i32
    %dma_wait3A_156 = tpu.memref_slice %arg4[%dma_wait3A_154, %dma_wait3A_155] : memref<100000x128xf32, #tpu.memory_space<hbm>> -> memref<100000x128xf32, #tpu.memory_space<hbm>>
    tpu.wait_indirect_dma semaphore(%arg12 : memref<!tpu.dma_semaphore, #tpu.memory_space<semaphore_mem>>) src(%dma_wait3A_156 : memref<100000x128xf32, #tpu.memory_space<hbm>>) dst(%dma_wait3A_151 : memref<160x128xf32, #tpu.memory_space<vmem>>)
    %parallel_loop3A_157 = arith.constant 0 : i32
    %parallel_loop3A_158 = arith.constant 160 : i32
    %parallel_loop3A_159 = arith.constant 1 : i32
    %parallel_loop3A_160:8 = scf.for %parallel_loop3A_193 = %parallel_loop3A_157 to %parallel_loop3A_158 step %parallel_loop3A_159 iter_args(%parallel_loop3A_194 = %parallel_loop3A_138#0, %parallel_loop3A_195 = %parallel_loop3A_138#1, %parallel_loop3A_196 = %parallel_loop3A_138#2, %parallel_loop3A_197 = %parallel_loop3A_138#3, %parallel_loop3A_198 = %parallel_loop3A_138#4, %parallel_loop3A_199 = %parallel_loop3A_138#5, %parallel_loop3A_200 = %parallel_loop3A_138#6, %parallel_loop3A_201 = %parallel_loop3A_138#7) -> (vector<16xf32>, vector<16xf32>, vector<16xf32>, vector<16xf32>, vector<16xf32>, vector<16xf32>, vector<16xf32>, vector<16xf32>)  : i32 {
      %parallel_loop3A_202 = arith.index_cast %parallel_loop3A_193 : i32 to index
      %parallel_loop3A_203 = arith.constant 0 : index
      %parallel_loop3A_204 = tpu.vector_load %arg8[%parallel_loop3A_202, %parallel_loop3A_203] {strides = array<i32>} : memref<160x128xf32, #tpu.memory_space<vmem>>, vector<1x16xf32>,
      %parallel_loop3A_205 = vector.shape_cast %parallel_loop3A_204 : vector<1x16xf32> to vector<16xf32>
      %parallel_loop3A_206 = arith.index_cast %parallel_loop3A_193 : i32 to index
      %parallel_loop3A_207 = arith.constant 0 : index
      %parallel_loop3A_208 = tpu.vector_load %arg10[%parallel_loop3A_206, %parallel_loop3A_207] {strides = array<i32>} : memref<160x128xf32, #tpu.memory_space<vmem>>, vector<1x16xf32>,
      %parallel_loop3A_209 = vector.shape_cast %parallel_loop3A_208 : vector<1x16xf32> to vector<16xf32>
      %parallel_loop3A_210 = arith.subf %parallel_loop3A_205, %parallel_loop3A_209 : vector<16xf32>
      %parallel_loop3A_211 = arith.mulf %parallel_loop3A_210, %parallel_loop3A_210 : vector<16xf32>
      %parallel_loop3A_212 = arith.addf %parallel_loop3A_194, %parallel_loop3A_211 : vector<16xf32>
      %parallel_loop3A_213 = arith.index_cast %parallel_loop3A_193 : i32 to index
      %parallel_loop3A_214 = arith.constant 16 : index
      %parallel_loop3A_215 = tpu.vector_load %arg8[%parallel_loop3A_213, %parallel_loop3A_214] {strides = array<i32>} : memref<160x128xf32, #tpu.memory_space<vmem>>, vector<1x16xf32>,
      %parallel_loop3A_216 = vector.shape_cast %parallel_loop3A_215 : vector<1x16xf32> to vector<16xf32>
      %parallel_loop3A_217 = arith.index_cast %parallel_loop3A_193 : i32 to index
      %parallel_loop3A_218 = arith.constant 16 : index
      %parallel_loop3A_219 = tpu.vector_load %arg10[%parallel_loop3A_217, %parallel_loop3A_218] {strides = array<i32>} : memref<160x128xf32, #tpu.memory_space<vmem>>, vector<1x16xf32>,
      %parallel_loop3A_220 = vector.shape_cast %parallel_loop3A_219 : vector<1x16xf32> to vector<16xf32>
      %parallel_loop3A_221 = arith.subf %parallel_loop3A_216, %parallel_loop3A_220 : vector<16xf32>
      %parallel_loop3A_222 = arith.mulf %parallel_loop3A_221, %parallel_loop3A_221 : vector<16xf32>
      %parallel_loop3A_223 = arith.addf %parallel_loop3A_195, %parallel_loop3A_222 : vector<16xf32>
      %parallel_loop3A_224 = arith.index_cast %parallel_loop3A_193 : i32 to index
      %parallel_loop3A_225 = arith.constant 32 : index
      %parallel_loop3A_226 = tpu.vector_load %arg8[%parallel_loop3A_224, %parallel_loop3A_225] {strides = array<i32>} : memref<160x128xf32, #tpu.memory_space<vmem>>, vector<1x16xf32>,
      %parallel_loop3A_227 = vector.shape_cast %parallel_loop3A_226 : vector<1x16xf32> to vector<16xf32>
      %parallel_loop3A_228 = arith.index_cast %parallel_loop3A_193 : i32 to index
      %parallel_loop3A_229 = arith.constant 32 : index
      %parallel_loop3A_230 = tpu.vector_load %arg10[%parallel_loop3A_228, %parallel_loop3A_229] {strides = array<i32>} : memref<160x128xf32, #tpu.memory_space<vmem>>, vector<1x16xf32>,
      %parallel_loop3A_231 = vector.shape_cast %parallel_loop3A_230 : vector<1x16xf32> to vector<16xf32>
      %parallel_loop3A_232 = arith.subf %parallel_loop3A_227, %parallel_loop3A_231 : vector<16xf32>
      %parallel_loop3A_233 = arith.mulf %parallel_loop3A_232, %parallel_loop3A_232 : vector<16xf32>
      %parallel_loop3A_234 = arith.addf %parallel_loop3A_196, %parallel_loop3A_233 : vector<16xf32>
      %parallel_loop3A_235 = arith.index_cast %parallel_loop3A_193 : i32 to index
      %parallel_loop3A_236 = arith.constant 48 : index
      %parallel_loop3A_237 = tpu.vector_load %arg8[%parallel_loop3A_235, %parallel_loop3A_236] {strides = array<i32>} : memref<160x128xf32, #tpu.memory_space<vmem>>, vector<1x16xf32>,
      %parallel_loop3A_238 = vector.shape_cast %parallel_loop3A_237 : vector<1x16xf32> to vector<16xf32>
      %parallel_loop3A_239 = arith.index_cast %parallel_loop3A_193 : i32 to index
      %parallel_loop3A_240 = arith.constant 48 : index
      %parallel_loop3A_241 = tpu.vector_load %arg10[%parallel_loop3A_239, %parallel_loop3A_240] {strides = array<i32>} : memref<160x128xf32, #tpu.memory_space<vmem>>, vector<1x16xf32>,
      %parallel_loop3A_242 = vector.shape_cast %parallel_loop3A_241 : vector<1x16xf32> to vector<16xf32>
      %parallel_loop3A_243 = arith.subf %parallel_loop3A_238, %parallel_loop3A_242 : vector<16xf32>
      %parallel_loop3A_244 = arith.mulf %parallel_loop3A_243, %parallel_loop3A_243 : vector<16xf32>
      %parallel_loop3A_245 = arith.addf %parallel_loop3A_197, %parallel_loop3A_244 : vector<16xf32>
      %parallel_loop3A_246 = arith.index_cast %parallel_loop3A_193 : i32 to index
      %parallel_loop3A_247 = arith.constant 64 : index
      %parallel_loop3A_248 = tpu.vector_load %arg8[%parallel_loop3A_246, %parallel_loop3A_247] {strides = array<i32>} : memref<160x128xf32, #tpu.memory_space<vmem>>, vector<1x16xf32>,
      %parallel_loop3A_249 = vector.shape_cast %parallel_loop3A_248 : vector<1x16xf32> to vector<16xf32>
      %parallel_loop3A_250 = arith.index_cast %parallel_loop3A_193 : i32 to index
      %parallel_loop3A_251 = arith.constant 64 : index
      %parallel_loop3A_252 = tpu.vector_load %arg10[%parallel_loop3A_250, %parallel_loop3A_251] {strides = array<i32>} : memref<160x128xf32, #tpu.memory_space<vmem>>, vector<1x16xf32>,
      %parallel_loop3A_253 = vector.shape_cast %parallel_loop3A_252 : vector<1x16xf32> to vector<16xf32>
      %parallel_loop3A_254 = arith.subf %parallel_loop3A_249, %parallel_loop3A_253 : vector<16xf32>
      %parallel_loop3A_255 = arith.mulf %parallel_loop3A_254, %parallel_loop3A_254 : vector<16xf32>
      %parallel_loop3A_256 = arith.addf %parallel_loop3A_198, %parallel_loop3A_255 : vector<16xf32>
      %parallel_loop3A_257 = arith.index_cast %parallel_loop3A_193 : i32 to index
      %parallel_loop3A_258 = arith.constant 80 : index
      %parallel_loop3A_259 = tpu.vector_load %arg8[%parallel_loop3A_257, %parallel_loop3A_258] {strides = array<i32>} : memref<160x128xf32, #tpu.memory_space<vmem>>, vector<1x16xf32>,
      %parallel_loop3A_260 = vector.shape_cast %parallel_loop3A_259 : vector<1x16xf32> to vector<16xf32>
      %parallel_loop3A_261 = arith.index_cast %parallel_loop3A_193 : i32 to index
      %parallel_loop3A_262 = arith.constant 80 : index
      %parallel_loop3A_263 = tpu.vector_load %arg10[%parallel_loop3A_261, %parallel_loop3A_262] {strides = array<i32>} : memref<160x128xf32, #tpu.memory_space<vmem>>, vector<1x16xf32>,
      %parallel_loop3A_264 = vector.shape_cast %parallel_loop3A_263 : vector<1x16xf32> to vector<16xf32>
      %parallel_loop3A_265 = arith.subf %parallel_loop3A_260, %parallel_loop3A_264 : vector<16xf32>
      %parallel_loop3A_266 = arith.mulf %parallel_loop3A_265, %parallel_loop3A_265 : vector<16xf32>
      %parallel_loop3A_267 = arith.addf %parallel_loop3A_199, %parallel_loop3A_266 : vector<16xf32>
      %parallel_loop3A_268 = arith.index_cast %parallel_loop3A_193 : i32 to index
      %parallel_loop3A_269 = arith.constant 96 : index
      %parallel_loop3A_270 = tpu.vector_load %arg8[%parallel_loop3A_268, %parallel_loop3A_269] {strides = array<i32>} : memref<160x128xf32, #tpu.memory_space<vmem>>, vector<1x16xf32>,
      %parallel_loop3A_271 = vector.shape_cast %parallel_loop3A_270 : vector<1x16xf32> to vector<16xf32>
      %parallel_loop3A_272 = arith.index_cast %parallel_loop3A_193 : i32 to index
      %parallel_loop3A_273 = arith.constant 96 : index
      %parallel_loop3A_274 = tpu.vector_load %arg10[%parallel_loop3A_272, %parallel_loop3A_273] {strides = array<i32>} : memref<160x128xf32, #tpu.memory_space<vmem>>, vector<1x16xf32>,
      %parallel_loop3A_275 = vector.shape_cast %parallel_loop3A_274 : vector<1x16xf32> to vector<16xf32>
      %parallel_loop3A_276 = arith.subf %parallel_loop3A_271, %parallel_loop3A_275 : vector<16xf32>
      %parallel_loop3A_277 = arith.mulf %parallel_loop3A_276, %parallel_loop3A_276 : vector<16xf32>
      %parallel_loop3A_278 = arith.addf %parallel_loop3A_200, %parallel_loop3A_277 : vector<16xf32>
      %parallel_loop3A_279 = arith.index_cast %parallel_loop3A_193 : i32 to index
      %parallel_loop3A_280 = arith.constant 112 : index
      %parallel_loop3A_281 = tpu.vector_load %arg8[%parallel_loop3A_279, %parallel_loop3A_280] {strides = array<i32>} : memref<160x128xf32, #tpu.memory_space<vmem>>, vector<1x16xf32>,
      %parallel_loop3A_282 = vector.shape_cast %parallel_loop3A_281 : vector<1x16xf32> to vector<16xf32>
      %parallel_loop3A_283 = arith.index_cast %parallel_loop3A_193 : i32 to index
      %parallel_loop3A_284 = arith.constant 112 : index
      %parallel_loop3A_285 = tpu.vector_load %arg10[%parallel_loop3A_283, %parallel_loop3A_284] {strides = array<i32>} : memref<160x128xf32, #tpu.memory_space<vmem>>, vector<1x16xf32>,
      %parallel_loop3A_286 = vector.shape_cast %parallel_loop3A_285 : vector<1x16xf32> to vector<16xf32>
      %parallel_loop3A_287 = arith.subf %parallel_loop3A_282, %parallel_loop3A_286 : vector<16xf32>
      %parallel_loop3A_288 = arith.mulf %parallel_loop3A_287, %parallel_loop3A_287 : vector<16xf32>
      %parallel_loop3A_289 = arith.addf %parallel_loop3A_201, %parallel_loop3A_288 : vector<16xf32>
      scf.yield %parallel_loop3A_212, %parallel_loop3A_223, %parallel_loop3A_234, %parallel_loop3A_245, %parallel_loop3A_256, %parallel_loop3A_267, %parallel_loop3A_278, %parallel_loop3A_289 : vector<16xf32>, vector<16xf32>, vector<16xf32>, vector<16xf32>, vector<16xf32>, vector<16xf32>, vector<16xf32>, vector<16xf32>
    } {sc.loop_unroll_factor = 4 : i64, sc.parallel_access}
    %dma_wait3A_161 = arith.constant 0 : i32
    %dma_wait3A_162 = arith.constant 0 : i32
    %dma_wait3A_163 = tpu.memref_slice %arg9[%dma_wait3A_161, %dma_wait3A_162] : memref<160x128xf32, #tpu.memory_space<vmem>> -> memref<32x128xf32, #tpu.memory_space<vmem>>
    %dma_wait3A_164 = arith.constant 0 : i32
    %dma_wait3A_165 = tpu.memref_slice %arg2[%add3A_116, %dma_wait3A_164] : memref<16384x128xf32, #tpu.memory_space<hbm>> -> memref<32x128xf32, #tpu.memory_space<hbm>>
    %dma_wait3A_166 = arith.constant 0 : i32
    %dma_wait3A_167 = arith.constant 0 : i32
    %dma_wait3A_168 = tpu.memref_slice %arg9[%dma_wait3A_166, %dma_wait3A_167] : memref<160x128xf32, #tpu.memory_space<vmem>> -> memref<32x128xf32, #tpu.memory_space<vmem>>
    %dma_wait3A_169 = arith.constant 0 : i32
    %dma_wait3A_170 = tpu.memref_slice %arg2[%add3A_116, %dma_wait3A_169] : memref<16384x128xf32, #tpu.memory_space<hbm>> -> memref<32x128xf32, #tpu.memory_space<hbm>>
    tpu.wait_dma2 semaphore(%arg13 : memref<!tpu.dma_semaphore, #tpu.memory_space<semaphore_mem>>) src(%dma_wait3A_170 : memref<32x128xf32, #tpu.memory_space<hbm>>) dst(%dma_wait3A_168 : memref<32x128xf32, #tpu.memory_space<vmem>>)
    %dma_wait3A_171 = arith.constant 0 : i32
    %dma_wait3A_172 = arith.constant 0 : i32
    %dma_wait3A_173 = tpu.memref_slice %arg11[%dma_wait3A_171, %dma_wait3A_172] : memref<160x128xf32, #tpu.memory_space<vmem>> -> memref<32x128xf32, #tpu.memory_space<vmem>>
    %dma_wait3A_174 = arith.constant 480 : i32
    %dma_wait3A_175 = tpu.memref_slice %arg6[%dma_wait3A_174] : memref<512xi32, #tpu.memory_space<vmem>> -> memref<32xi32, #tpu.memory_space<vmem>>
    %dma_wait3A_176 = arith.constant 0 : i32
    %dma_wait3A_177 = arith.constant 0 : i32
    %dma_wait3A_178 = tpu.memref_slice %arg4[%dma_wait3A_176, %dma_wait3A_177] : memref<100000x128xf32, #tpu.memory_space<hbm>> -> memref<100000x128xf32, #tpu.memory_space<hbm>>
    tpu.wait_indirect_dma semaphore(%arg13 : memref<!tpu.dma_semaphore, #tpu.memory_space<semaphore_mem>>) src(%dma_wait3A_178 : memref<100000x128xf32, #tpu.memory_space<hbm>>) dst(%dma_wait3A_173 : memref<32x128xf32, #tpu.memory_space<vmem>>)
    %parallel_loop3A_179 = arith.constant 0 : i32
    %parallel_loop3A_180 = arith.constant 32 : i32
    %parallel_loop3A_181 = arith.constant 1 : i32
    %parallel_loop3A_182:8 = scf.for %parallel_loop3A_193 = %parallel_loop3A_179 to %parallel_loop3A_180 step %parallel_loop3A_181 iter_args(%parallel_loop3A_194 = %parallel_loop3A_160#0, %parallel_loop3A_195 = %parallel_loop3A_160#1, %parallel_loop3A_196 = %parallel_loop3A_160#2, %parallel_loop3A_197 = %parallel_loop3A_160#3, %parallel_loop3A_198 = %parallel_loop3A_160#4, %parallel_loop3A_199 = %parallel_loop3A_160#5, %parallel_loop3A_200 = %parallel_loop3A_160#6, %parallel_loop3A_201 = %parallel_loop3A_160#7) -> (vector<16xf32>, vector<16xf32>, vector<16xf32>, vector<16xf32>, vector<16xf32>, vector<16xf32>, vector<16xf32>, vector<16xf32>)  : i32 {
      %parallel_loop3A_202 = arith.index_cast %parallel_loop3A_193 : i32 to index
      %parallel_loop3A_203 = arith.constant 0 : index
      %parallel_loop3A_204 = tpu.vector_load %arg9[%parallel_loop3A_202, %parallel_loop3A_203] {strides = array<i32>} : memref<160x128xf32, #tpu.memory_space<vmem>>, vector<1x16xf32>,
      %parallel_loop3A_205 = vector.shape_cast %parallel_loop3A_204 : vector<1x16xf32> to vector<16xf32>
      %parallel_loop3A_206 = arith.index_cast %parallel_loop3A_193 : i32 to index
      %parallel_loop3A_207 = arith.constant 0 : index
      %parallel_loop3A_208 = tpu.vector_load %arg11[%parallel_loop3A_206, %parallel_loop3A_207] {strides = array<i32>} : memref<160x128xf32, #tpu.memory_space<vmem>>, vector<1x16xf32>,
      %parallel_loop3A_209 = vector.shape_cast %parallel_loop3A_208 : vector<1x16xf32> to vector<16xf32>
      %parallel_loop3A_210 = arith.subf %parallel_loop3A_205, %parallel_loop3A_209 : vector<16xf32>
      %parallel_loop3A_211 = arith.mulf %parallel_loop3A_210, %parallel_loop3A_210 : vector<16xf32>
      %parallel_loop3A_212 = arith.addf %parallel_loop3A_194, %parallel_loop3A_211 : vector<16xf32>
      %parallel_loop3A_213 = arith.index_cast %parallel_loop3A_193 : i32 to index
      %parallel_loop3A_214 = arith.constant 16 : index
      %parallel_loop3A_215 = tpu.vector_load %arg9[%parallel_loop3A_213, %parallel_loop3A_214] {strides = array<i32>} : memref<160x128xf32, #tpu.memory_space<vmem>>, vector<1x16xf32>,
      %parallel_loop3A_216 = vector.shape_cast %parallel_loop3A_215 : vector<1x16xf32> to vector<16xf32>
      %parallel_loop3A_217 = arith.index_cast %parallel_loop3A_193 : i32 to index
      %parallel_loop3A_218 = arith.constant 16 : index
      %parallel_loop3A_219 = tpu.vector_load %arg11[%parallel_loop3A_217, %parallel_loop3A_218] {strides = array<i32>} : memref<160x128xf32, #tpu.memory_space<vmem>>, vector<1x16xf32>,
      %parallel_loop3A_220 = vector.shape_cast %parallel_loop3A_219 : vector<1x16xf32> to vector<16xf32>
      %parallel_loop3A_221 = arith.subf %parallel_loop3A_216, %parallel_loop3A_220 : vector<16xf32>
      %parallel_loop3A_222 = arith.mulf %parallel_loop3A_221, %parallel_loop3A_221 : vector<16xf32>
      %parallel_loop3A_223 = arith.addf %parallel_loop3A_195, %parallel_loop3A_222 : vector<16xf32>
      %parallel_loop3A_224 = arith.index_cast %parallel_loop3A_193 : i32 to index
      %parallel_loop3A_225 = arith.constant 32 : index
      %parallel_loop3A_226 = tpu.vector_load %arg9[%parallel_loop3A_224, %parallel_loop3A_225] {strides = array<i32>} : memref<160x128xf32, #tpu.memory_space<vmem>>, vector<1x16xf32>,
      %parallel_loop3A_227 = vector.shape_cast %parallel_loop3A_226 : vector<1x16xf32> to vector<16xf32>
      %parallel_loop3A_228 = arith.index_cast %parallel_loop3A_193 : i32 to index
      %parallel_loop3A_229 = arith.constant 32 : index
      %parallel_loop3A_230 = tpu.vector_load %arg11[%parallel_loop3A_228, %parallel_loop3A_229] {strides = array<i32>} : memref<160x128xf32, #tpu.memory_space<vmem>>, vector<1x16xf32>,
      %parallel_loop3A_231 = vector.shape_cast %parallel_loop3A_230 : vector<1x16xf32> to vector<16xf32>
      %parallel_loop3A_232 = arith.subf %parallel_loop3A_227, %parallel_loop3A_231 : vector<16xf32>
      %parallel_loop3A_233 = arith.mulf %parallel_loop3A_232, %parallel_loop3A_232 : vector<16xf32>
      %parallel_loop3A_234 = arith.addf %parallel_loop3A_196, %parallel_loop3A_233 : vector<16xf32>
      %parallel_loop3A_235 = arith.index_cast %parallel_loop3A_193 : i32 to index
      %parallel_loop3A_236 = arith.constant 48 : index
      %parallel_loop3A_237 = tpu.vector_load %arg9[%parallel_loop3A_235, %parallel_loop3A_236] {strides = array<i32>} : memref<160x128xf32, #tpu.memory_space<vmem>>, vector<1x16xf32>,
      %parallel_loop3A_238 = vector.shape_cast %parallel_loop3A_237 : vector<1x16xf32> to vector<16xf32>
      %parallel_loop3A_239 = arith.index_cast %parallel_loop3A_193 : i32 to index
      %parallel_loop3A_240 = arith.constant 48 : index
      %parallel_loop3A_241 = tpu.vector_load %arg11[%parallel_loop3A_239, %parallel_loop3A_240] {strides = array<i32>} : memref<160x128xf32, #tpu.memory_space<vmem>>, vector<1x16xf32>,
      %parallel_loop3A_242 = vector.shape_cast %parallel_loop3A_241 : vector<1x16xf32> to vector<16xf32>
      %parallel_loop3A_243 = arith.subf %parallel_loop3A_238, %parallel_loop3A_242 : vector<16xf32>
      %parallel_loop3A_244 = arith.mulf %parallel_loop3A_243, %parallel_loop3A_243 : vector<16xf32>
      %parallel_loop3A_245 = arith.addf %parallel_loop3A_197, %parallel_loop3A_244 : vector<16xf32>
      %parallel_loop3A_246 = arith.index_cast %parallel_loop3A_193 : i32 to index
      %parallel_loop3A_247 = arith.constant 64 : index
      %parallel_loop3A_248 = tpu.vector_load %arg9[%parallel_loop3A_246, %parallel_loop3A_247] {strides = array<i32>} : memref<160x128xf32, #tpu.memory_space<vmem>>, vector<1x16xf32>,
      %parallel_loop3A_249 = vector.shape_cast %parallel_loop3A_248 : vector<1x16xf32> to vector<16xf32>
      %parallel_loop3A_250 = arith.index_cast %parallel_loop3A_193 : i32 to index
      %parallel_loop3A_251 = arith.constant 64 : index
      %parallel_loop3A_252 = tpu.vector_load %arg11[%parallel_loop3A_250, %parallel_loop3A_251] {strides = array<i32>} : memref<160x128xf32, #tpu.memory_space<vmem>>, vector<1x16xf32>,
      %parallel_loop3A_253 = vector.shape_cast %parallel_loop3A_252 : vector<1x16xf32> to vector<16xf32>
      %parallel_loop3A_254 = arith.subf %parallel_loop3A_249, %parallel_loop3A_253 : vector<16xf32>
      %parallel_loop3A_255 = arith.mulf %parallel_loop3A_254, %parallel_loop3A_254 : vector<16xf32>
      %parallel_loop3A_256 = arith.addf %parallel_loop3A_198, %parallel_loop3A_255 : vector<16xf32>
      %parallel_loop3A_257 = arith.index_cast %parallel_loop3A_193 : i32 to index
      %parallel_loop3A_258 = arith.constant 80 : index
      %parallel_loop3A_259 = tpu.vector_load %arg9[%parallel_loop3A_257, %parallel_loop3A_258] {strides = array<i32>} : memref<160x128xf32, #tpu.memory_space<vmem>>, vector<1x16xf32>,
      %parallel_loop3A_260 = vector.shape_cast %parallel_loop3A_259 : vector<1x16xf32> to vector<16xf32>
      %parallel_loop3A_261 = arith.index_cast %parallel_loop3A_193 : i32 to index
      %parallel_loop3A_262 = arith.constant 80 : index
      %parallel_loop3A_263 = tpu.vector_load %arg11[%parallel_loop3A_261, %parallel_loop3A_262] {strides = array<i32>} : memref<160x128xf32, #tpu.memory_space<vmem>>, vector<1x16xf32>,
      %parallel_loop3A_264 = vector.shape_cast %parallel_loop3A_263 : vector<1x16xf32> to vector<16xf32>
      %parallel_loop3A_265 = arith.subf %parallel_loop3A_260, %parallel_loop3A_264 : vector<16xf32>
      %parallel_loop3A_266 = arith.mulf %parallel_loop3A_265, %parallel_loop3A_265 : vector<16xf32>
      %parallel_loop3A_267 = arith.addf %parallel_loop3A_199, %parallel_loop3A_266 : vector<16xf32>
      %parallel_loop3A_268 = arith.index_cast %parallel_loop3A_193 : i32 to index
      %parallel_loop3A_269 = arith.constant 96 : index
      %parallel_loop3A_270 = tpu.vector_load %arg9[%parallel_loop3A_268, %parallel_loop3A_269] {strides = array<i32>} : memref<160x128xf32, #tpu.memory_space<vmem>>, vector<1x16xf32>,
      %parallel_loop3A_271 = vector.shape_cast %parallel_loop3A_270 : vector<1x16xf32> to vector<16xf32>
      %parallel_loop3A_272 = arith.index_cast %parallel_loop3A_193 : i32 to index
      %parallel_loop3A_273 = arith.constant 96 : index
      %parallel_loop3A_274 = tpu.vector_load %arg11[%parallel_loop3A_272, %parallel_loop3A_273] {strides = array<i32>} : memref<160x128xf32, #tpu.memory_space<vmem>>, vector<1x16xf32>,
      %parallel_loop3A_275 = vector.shape_cast %parallel_loop3A_274 : vector<1x16xf32> to vector<16xf32>
      %parallel_loop3A_276 = arith.subf %parallel_loop3A_271, %parallel_loop3A_275 : vector<16xf32>
      %parallel_loop3A_277 = arith.mulf %parallel_loop3A_276, %parallel_loop3A_276 : vector<16xf32>
      %parallel_loop3A_278 = arith.addf %parallel_loop3A_200, %parallel_loop3A_277 : vector<16xf32>
      %parallel_loop3A_279 = arith.index_cast %parallel_loop3A_193 : i32 to index
      %parallel_loop3A_280 = arith.constant 112 : index
      %parallel_loop3A_281 = tpu.vector_load %arg9[%parallel_loop3A_279, %parallel_loop3A_280] {strides = array<i32>} : memref<160x128xf32, #tpu.memory_space<vmem>>, vector<1x16xf32>,
      %parallel_loop3A_282 = vector.shape_cast %parallel_loop3A_281 : vector<1x16xf32> to vector<16xf32>
      %parallel_loop3A_283 = arith.index_cast %parallel_loop3A_193 : i32 to index
      %parallel_loop3A_284 = arith.constant 112 : index
      %parallel_loop3A_285 = tpu.vector_load %arg11[%parallel_loop3A_283, %parallel_loop3A_284] {strides = array<i32>} : memref<160x128xf32, #tpu.memory_space<vmem>>, vector<1x16xf32>,
      %parallel_loop3A_286 = vector.shape_cast %parallel_loop3A_285 : vector<1x16xf32> to vector<16xf32>
      %parallel_loop3A_287 = arith.subf %parallel_loop3A_282, %parallel_loop3A_286 : vector<16xf32>
      %parallel_loop3A_288 = arith.mulf %parallel_loop3A_287, %parallel_loop3A_287 : vector<16xf32>
      %parallel_loop3A_289 = arith.addf %parallel_loop3A_201, %parallel_loop3A_288 : vector<16xf32>
      scf.yield %parallel_loop3A_212, %parallel_loop3A_223, %parallel_loop3A_234, %parallel_loop3A_245, %parallel_loop3A_256, %parallel_loop3A_267, %parallel_loop3A_278, %parallel_loop3A_289 : vector<16xf32>, vector<16xf32>, vector<16xf32>, vector<16xf32>, vector<16xf32>, vector<16xf32>, vector<16xf32>, vector<16xf32>
    } {sc.loop_unroll_factor = 4 : i64, sc.parallel_access}
    %add3A_183 = arith.addf %parallel_loop3A_182#0, %parallel_loop3A_182#1 : vector<16xf32>
    %add3A_184 = arith.addf %add3A_183, %parallel_loop3A_182#2 : vector<16xf32>
    %add3A_185 = arith.addf %add3A_184, %parallel_loop3A_182#3 : vector<16xf32>
    %add3A_186 = arith.addf %add3A_185, %parallel_loop3A_182#4 : vector<16xf32>
    %add3A_187 = arith.addf %add3A_186, %parallel_loop3A_182#5 : vector<16xf32>
    %add3A_188 = arith.addf %add3A_187, %parallel_loop3A_182#6 : vector<16xf32>
    %add3A_189 = arith.addf %add3A_188, %parallel_loop3A_182#7 : vector<16xf32>
    %swap3A = arith.constant 0 : index
    %swap3A_190 = tpu.vector_load %arg7[%swap3A] {strides = array<i32>} : memref<16xf32, #tpu.memory_space<vmem>>, vector<16xf32>,
    %swap3A_191 = vector.shape_cast %swap3A_190 : vector<16xf32> to vector<16xf32>
    %swap3A_192 = vector.shape_cast %add3A_189 : vector<16xf32> to vector<16xf32>
    tpu.vector_store %arg7[%swap3A], %swap3A_192 {strides = array<i32>} : memref<16xf32, #tpu.memory_space<vmem>>, vector<16xf32>,
    "tpu.region"() ({
      %run_scoped3A = tpu.sem_alloc : memref<!tpu.dma_semaphore, #tpu.memory_space<semaphore_mem>>
      %dma_start3A_193 = arith.constant 0 : i32
      %dma_start3A_194 = tpu.memref_slice %arg5[%add3A, %dma_start3A_193] : memref<32x16xf32, #tpu.memory_space<hbm>> -> memref<1x16xf32, #tpu.memory_space<hbm>>
      %dma_start3A_195 = tpu.memref_squeeze %dma_start3A_194 : memref<1x16xf32, #tpu.memory_space<hbm>> -> memref<16xf32, #tpu.memory_space<hbm>>
      %dma_start3A_196 = arith.constant 0 : i32
      %dma_start3A_197 = tpu.memref_slice %arg5[%add3A, %dma_start3A_196] : memref<32x16xf32, #tpu.memory_space<hbm>> -> memref<1x16xf32, #tpu.memory_space<hbm>>
      %dma_start3A_198 = tpu.memref_squeeze %dma_start3A_197 : memref<1x16xf32, #tpu.memory_space<hbm>> -> memref<16xf32, #tpu.memory_space<hbm>>
      tpu.enqueue_dma source(%arg7 : memref<16xf32, #tpu.memory_space<vmem>>) target(%dma_start3A_198 : memref<16xf32, #tpu.memory_space<hbm>>) target_semaphore(%run_scoped3A : memref<!tpu.dma_semaphore, #tpu.memory_space<semaphore_mem>>)
      %dma_wait3A_199 = arith.constant 0 : i32
      %dma_wait3A_200 = tpu.memref_slice %arg5[%add3A, %dma_wait3A_199] : memref<32x16xf32, #tpu.memory_space<hbm>> -> memref<1x16xf32, #tpu.memory_space<hbm>>
      %dma_wait3A_201 = tpu.memref_squeeze %dma_wait3A_200 : memref<1x16xf32, #tpu.memory_space<hbm>> -> memref<16xf32, #tpu.memory_space<hbm>>
      %dma_wait3A_202 = arith.constant 0 : i32
      %dma_wait3A_203 = tpu.memref_slice %arg5[%add3A, %dma_wait3A_202] : memref<32x16xf32, #tpu.memory_space<hbm>> -> memref<1x16xf32, #tpu.memory_space<hbm>>
      %dma_wait3A_204 = tpu.memref_squeeze %dma_wait3A_203 : memref<1x16xf32, #tpu.memory_space<hbm>> -> memref<16xf32, #tpu.memory_space<hbm>>
      tpu.wait_dma2 semaphore(%run_scoped3A : memref<!tpu.dma_semaphore, #tpu.memory_space<semaphore_mem>>) src(%arg7 : memref<16xf32, #tpu.memory_space<vmem>>) dst(%dma_wait3A_204 : memref<16xf32, #tpu.memory_space<hbm>>)
      tpu.yield
    }) : () -> ()
    return
  }
}

module attributes {stable_mosaic.version = 14 : i64} {
  func.func @_reduce_body(%arg0: memref<32x16xf32, #tpu.memory_space<vmem>>, %arg1: memref<1x1xf32, #tpu.memory_space<vmem>>) attributes {dimension_semantics = [], scalar_prefetch = 0 : i64, scratch_operands = 0 : i64, tpu.core_type = #tpu.core_type<tc>} {
    %get3A = arith.constant 0 : index
    %get3A_0 = arith.constant 0 : index
    %get3A_1 = vector.load %arg0[%get3A, %get3A_0] : memref<32x16xf32, #tpu.memory_space<vmem>>, vector<32x16xf32>
    %reduce_sum3A = vector.shape_cast %get3A_1 : vector<32x16xf32> to vector<1x32x16xf32>
    %reduce_sum3A_2 = arith.constant dense<0.000000e+00> : vector<1xf32>
    %reduce_sum3A_3 = vector.multi_reduction <add>, %reduce_sum3A, %reduce_sum3A_2 [1, 2] : vector<1x32x16xf32> to vector<1xf32>
    %reduce_sum3A_4 = vector.shape_cast %reduce_sum3A_3 : vector<1xf32> to vector<1x1x1xf32>
    %reduce_sum3A_5 = vector.extract %reduce_sum3A_4[0, 0, 0] : f32 from vector<1x1x1xf32>
    %broadcast_in_dim3A = vector.broadcast %reduce_sum3A_5 : f32 to vector<1x1xf32>
    %mul3A = arith.constant 4.76837158E-7 : f32
    %mul3A_6 = vector.broadcast %mul3A : f32 to vector<1x1xf32>
    %mul3A_7 = arith.mulf %broadcast_in_dim3A, %mul3A_6 : vector<1x1xf32>
    %swap3A = arith.constant 0 : index
    %swap3A_8 = arith.constant 0 : index
    %swap3A_9 = vector.load %arg1[%swap3A, %swap3A_8] : memref<1x1xf32, #tpu.memory_space<vmem>>, vector<1x1xf32>
    tpu.vector_store %arg1[%swap3A, %swap3A_8], %mul3A_7 {strides = array<i32>} : memref<1x1xf32, #tpu.memory_space<vmem>>, vector<1x1xf32>,
    return
  }
}

</mosaic_0001>

<sc_bundles>
// kernel: kernel.4.cloned.1.call-start
scs
__scs_entry_jumppad:
0x0: {  	(pc) =	sbr.rel $0x88, $3  }
0x1: {  	(tag) =	ssettag $0x0;
	lr =	simm.s32 $0x1  }
0x2: {  	[smem:$0x3F9E] =	sst lr;
	_ =	strace $0xD0000000  }
0x3: {  	_ = 	snop  }
0x4: {  	_ = 	snop  }
0x5: {  	_ = 	snop  }
0x6: {  	_ = 	snop  }
0x7: {  	_ = 	snop  }
__scs_overlays_trampoline_lowered:
0x8: {  	[smem:$0x3FAD] =	sst s0  }
0x9: {  	[smem:$0x3FAE] =	sst s1  }
0xa: {  	[smem:$0x3FAF] =	sst s2  }
0xb: {  	[smem:$0x3FB0] =	sst s3  }
0xc: {  	[smem:$0x3FB1] =	sst s4  }
0xd: {  	[smem:$0x3FB2] =	sst s5  }
0xe: {  	[smem:$0x3FB3] =	sst s6  }
0xf: {  	[smem:$0x3FB4] =	sst s7  }
0x10: {  	[smem:$0x3FB5] =	sst s8  }
0x11: {  	[smem:$0x3FB6] =	sst s9;
	s0 =	simm.s32 @!p0 $0x0  }
0x12: {  	s1 =	sld [smem:$0x3F9C];
	s0 =	simm.s32 @p0 $0x1  }
0x13: {  	[smem:$0x3FB7] =	sst s0;
	s0 =	simm.s32 @!p1 $0x0  }
0x14: {  	s2 =	sld [smem:$0x3F9B];
	s0 =	simm.s32 @p1 $0x1  }
0x15: {  	[smem:$0x3FB8] =	sst s0;
	s0 =	simm.s32 @!p2 $0x0  }
0x16: {  	s3 =	sld [smem:$0x3FDB];
	s0 =	simm.s32 @p2 $0x1  }
0x17: {  	s4 =	simm.s32 $0x1BF5;
	[smem:$0x3FBA] =	sst s0  }
0x18: {  	s0 =	sld [smem:$0x3F9D];
	_ =	swait.ge [sflag:s4], $0x0  }
0x19: {  	s7 =	sld [smem:$0x3F9E]  }
0x1a: {  	s8 =	sadd.s32 $0xFFFFE003, lr  }
0x1b: {  	s9 =	sadd.s32 $0xFFFFFEF7, lr;
	s5 =	simm.s32 $0xFFFFFFFF;
	p2 =	slt.u32 s8, $0xFFFFF086  }
0x1c: {  	p1 =	slt.u32 s9, $0xF7A;
	s5 =	simm.s32 @!p2 $0x0  }
0x1d: {  	s5 =	simm.s32 @p1 $0x1;
	p0 =	seq.s32 s7, s2  }
0x1e: {  	s7 =	smul.u32 @!p0 $0xF7A, s2;
	p2 =	seq.s32 @!p0 s5, $0x0  }
0x1f: {  	s9 =	smul.u32 $0xF7A, s1;
	s8 =	simm.s32 @!p0 $0x1BF5;
	p2 =	por !p2, p0  }
0x20: {  	[sflag:s8] =	ssyncset.s32 @!p0 $0xFFFFF086;
	s6 =	sadd.s32 @!p0 s3, s7;
	s7 =	simm.s32 @!p0 $0x108  }
0x21: {  	s3 =	sadd.s32 s3, s9;
	s6 =	sadd.s32 @!p0 $0x88, s6;
	s7 =	simm.s32 @p2 $0x1082  }
0x22: {  	[simem:s7], [sflag:s8] =	dma.local @!p0 [hbm:s6], $0xF7A  }
0x23: {  	s9 =	sor.u32 $0xD0000000, s2;
	s6 =	simm.s32 $0x108;
	_ =	swait.ge @!p0 [sflag:s8], $0x0  }
0x24: {  	s3 =	sadd.s32 $0x88, s3;
	s6 =	simm.s32 @!p1 $0x1082;
	[sflag:s4] =	ssyncset.s32 $0xFFFFF086  }
0x25: {  	[simem:s6], [sflag:s4] =	dma.local [hbm:s3], $0xF7A  }
0x26: {  	[smem:$0x3F9E] =	sst s1;
	(tag) =	ssettag s2;
	_ =	strace s9  }
0x27: {  	s1 =	sld [smem:$0x3FAE]  }
0x28: {  	s2 =	sld [smem:$0x3FAF]  }
0x29: {  	s4 =	sld [smem:$0x3FB1]  }
0x2a: {  	p0 =	seq.s32 s5, $0x0;
	s5 =	sld [smem:$0x3FB2]  }
0x2b: {  	s6 =	sld [smem:$0x3FB3]  }
0x2c: {  	s7 =	sld [smem:$0x3FB4]  }
0x2d: {  	s3 =	simm.s32 $0x108;
	s8 =	sld [smem:$0x3FB5]  }
0x2e: {  	s3 =	simm.s32 @!p0 $0x1082;
	s9 =	sld [smem:$0x3FB6]  }
0x2f: {  	lr =	sadd.s32 s0, s3;
	s0 =	sld [smem:$0x3FAD]  }
0x30: {  	s3 =	sld [smem:$0x3FB0]  }
0x31: {  	[smem:$0x3FB9] =	sst s10  }
0x32: {  	s10 =	sld [smem:$0x3FB7];
	_ =	sdelay $0x3  }
0x33: {  	p0 =	seq.s32 s10, $0x1;
	s10 =	sld [smem:$0x3FB9];
	_ =	sdelay $0x3  }
0x34: {  	[smem:$0x3FB9] =	sst s10  }
0x35: {  	s10 =	sld [smem:$0x3FB8];
	_ =	sdelay $0x3  }
0x36: {  	p1 =	seq.s32 s10, $0x1;
	s10 =	sld [smem:$0x3FB9];
	_ =	sdelay $0x3  }
0x37: {  	[smem:$0x3FB9] =	sst s10  }
0x38: {  	s10 =	sld [smem:$0x3FBA]  }
0x39: {  	_ = 	snop;
	(pc) =	sbr.ind lr, $3  }
0x3a: {  	_ = 	snop  }
0x3b: {  	_ = 	snop  }
0x3c: {  	p2 =	seq.s32 s10, $0x1;
	s10 =	sld [smem:$0x3FB9]  }
0x3d: {  	_ =	shalt  }
0x3e: {  	_ =	shalt  }
0x3f: {  	_ =	shalt  }
0x40: {  	_ =	shalt  }
0x41: {  	_ =	shalt  }
0x42: {  	_ =	shalt  }
0x43: {  	_ =	shalt  }
0x44: {  	_ =	shalt  }
0x45: {  	_ =	shalt  }
0x46: {  	_ =	shalt  }
0x47: {  	_ =	shalt  }
0x48: {  	_ =	shalt  }
0x49: {  	_ =	shalt  }
0x4a: {  	_ =	shalt  }
0x4b: {  	_ =	shalt  }
0x4c: {  	_ =	shalt  }
0x4d: {  	_ =	shalt  }
0x4e: {  	_ =	shalt  }
0x4f: {  	_ =	shalt  }
0x50: {  	_ =	shalt  }
0x51: {  	_ =	shalt  }
0x52: {  	_ =	shalt  }
0x53: {  	_ =	shalt  }
0x54: {  	_ =	shalt  }
0x55: {  	_ =	shalt  }
0x56: {  	_ =	shalt  }
0x57: {  	_ =	shalt  }
0x58: {  	_ =	shalt  }
0x59: {  	_ =	shalt  }
0x5a: {  	_ =	shalt  }
0x5b: {  	_ =	shalt  }
0x5c: {  	_ =	shalt  }
0x5d: {  	_ =	shalt  }
0x5e: {  	_ =	shalt  }
0x5f: {  	_ =	shalt  }
0x60: {  	_ =	shalt  }
0x61: {  	_ =	shalt  }
0x62: {  	_ =	shalt  }
0x63: {  	_ =	shalt  }
0x64: {  	_ =	shalt  }
0x65: {  	_ =	shalt  }
0x66: {  	_ =	shalt  }
0x67: {  	_ =	shalt  }
0x68: {  	_ =	shalt  }
0x69: {  	_ =	shalt  }
0x6a: {  	_ =	shalt  }
0x6b: {  	_ =	shalt  }
0x6c: {  	_ =	shalt  }
0x6d: {  	_ =	shalt  }
0x6e: {  	_ =	shalt  }
0x6f: {  	_ =	shalt  }
0x70: {  	_ =	shalt  }
0x71: {  	_ =	shalt  }
0x72: {  	_ =	shalt  }
0x73: {  	_ =	shalt  }
0x74: {  	_ =	shalt  }
0x75: {  	_ =	shalt  }
0x76: {  	_ =	shalt  }
0x77: {  	_ =	shalt  }
0x78: {  	_ =	shalt  }
0x79: {  	_ =	shalt  }
0x7a: {  	_ =	shalt  }
0x7b: {  	_ =	shalt  }
0x7c: {  	_ =	shalt  }
0x7d: {  	_ =	shalt  }
0x7e: {  	_ =	shalt  }
0x7f: {  	_ =	shalt  }
0x80: {  	_ =	shalt  }
0x81: {  	_ =	shalt  }
0x82: {  	_ =	shalt  }
0x83: {  	_ =	shalt  }
0x84: {  	_ =	shalt  }
0x85: {  	_ =	shalt  }
0x86: {  	_ =	shalt  }
0x87: {  	_ =	shalt  }
.Lfunc_end0:
.L_simem_size_0:
called_computation_lowered:
.L_overlay_start_0:
0x88: {  	s2 =	sld [smem:$0x3FD9]  }
0x89: {  	s3 =	sld [smem:$0x3FFE];
	_ =	sdelay $0x1  }
0x8a: {  	s1 =	srdreg.scid  }
0x8b: {  	s0 =	sand.u32 $0x1, s1  }
0x8c: {  	s17 =	sshll.u32 s0, $0xA;
	s2 =	sadd.s32 s3, s2  }
0x8d: {  	s2 =	sadd.s32 s2, s17  }
0x8e: {  	[smem:$0x3FC5] =	sst s2  }
0x8f: {  	_ = 	snop  }
0x90: {  	s2 =	sld [smem:$0x3FC9]  }
0x91: {  	s18 =	sld [smem:$0x3FC8]  }
0x92: {  	s4 =	sld [smem:$0x3FC7];
	(tm) =	ssettm $0x1  }
0x93: {  	s5 =	sld [smem:$0x3FFB];
	_ =	sdelay $0x3  }
0x94: {  	_ =	strace s5  }
0x95: {  	s5 =	sld [smem:$0x3FFC];
	_ =	sdelay $0x3  }
0x96: {  	_ =	strace s5  }
0x97: {  	s5 =	sld [smem:$0x3FFD];
	_ =	sdelay $0x3  }
0x98: {  	_ =	strace s5  }
0x99: {  	_ =	strace $0x8FFFFFFF  }
0x9a: {  	s19 =	sld [smem:$0x3FDB];
	_ =	sdelay $0x1  }
0x9b: {  	s6 =	simm.s32 $_scs_section_size  }
0x9c: {  	s7 =	simm.s32 $_size__tile_overlayer_lowered;
	s8 =	simm.s32 $_tile_overlayer_lowered  }
0x9d: {  	s22 =	simm.s32 $0x1BFF;
	s21 =	sshll.u32 s8, $0x1;
	s5 =	sadd.s32 s6, s19  }
0x9e: {  	s9 =	simm.s32 $0x0;
	s20 =	sshll.u32 s7, $0x1;
	s7 =	sadd.s32 s21, s5  }
0x9f: {  	[timem:s9], [sflag:s22] =	dma.local [hbm:s7], s20  }
0xa0: {  	_ =	swait.ge [sflag:s22], s20  }
0xa1: {  	s6 =	ssub.s32 $0x0, s20;
	[sflag:s22] =	ssyncset.done $0x0  }
0xa2: {  	[sflag:s22] =	ssyncadd.s32 s6;
	_ =	sdelay $0x1  }
0xa3: {  	s23 =	simm.s32 $0x1B8B  }
0xa4: {  	_ =	swait.ge [sflag:s23], $0x1  }
0xa5: {  	[sflag:s23] =	ssyncset.done $0x0  }
0xa6: {  	s25 =	simm.s32 $0x1B8E;
	s24 =	sld [smem:$0x3FFE];
	[sflag:s23] =	ssyncadd.s32 $0xFFFFFFFF  }
0xa7: {  	s26 =	simm.s32 $execute0_lowered;
	[smem:$0x3FD2] =	sst s25  }
0xa8: {  	s7 =	sshll.u32 s26, $0x1;
	_ =	strace $0x80000046;
	[dreg:$0x1] =	wrdreg $0xFFFFFFFF  }
0xa9: {  	s28 =	simm.s32 $_size_execute0_lowered;
	s5 =	sadd.s32 s5, s7;
	[dreg:$0x0] =	wrdreg $0x0  }
0xaa: {  	s7 =	sshll.u32 s28, $0x1;
	[dreg:$0x2] =	wrdreg s5  }
0xab: {  	[dreg:$0x3] =	wrdreg s7  }
0xac: {  	[dreg:$0x4] =	wrdreg $0xC0  }
0xad: {  	_ =	task [dreg:s9], $0x5FFFF  }
0xae: {  	[dreg:$0x1] =	wrdreg $0xFFFFFFFF  }
0xaf: {  	[dreg:$0x0] =	wrdreg $0x60  }
0xb0: {  	[dreg:$0x2] =	wrdreg s2  }
0xb1: {  	[dreg:$0x3] =	wrdreg s18  }
0xb2: {  	[dreg:$0x4] =	wrdreg s4  }
0xb3: {  	[dreg:$0x5] =	wrdreg s24  }
0xb4: {  	[dreg:$0x6] =	wrdreg $0x9  }
0xb5: {  	_ =	task.clear_ibuf [dreg:s9], $0x7FFFF;
	_ =	strace $0x90000046  }
0xb6: {  	s29 =	simm.s32 $0x9;
	_ =	strace $0x80000048  }
0xb7: {  	_ =	swait.ge [sflag:s29], $0x1  }
0xb8: {  	[sflag:s29] =	ssyncadd.s32 $0xFFFFFFFF  }
0xb9: {  	_ =	strace $0x90000048  }
0xba: {  	_ =	sfence  }
0xbb: {  	s30 =	sld [smem:$0x0];
	_ =	sdelay $0x2  }
0xbc: {  	s31 =	sshll.u32 s1, $0xD;
	s1 =	sshrl.u32 s1, $0x2  }
0xbd: {  	s3 =	sand.u32 $0x4000, s31;
	s1 =	sadd.s32 s1, s30  }
0xbe: {  	s0 =	sor.u32 s3, s0;
	s1 =	sshll.u32 s1, $0x11  }
0xbf: {  	s0 =	sor.u32 s1, s0  }
0xc0: {  	s0 =	sadd.s32 $0x8F2B, s0  }
0xc1: {  	[sflag:s0] =	ssyncadd.remote.s32 $0x1  }
0xc2: {  	_ =	sfence.sel $0xFFFF  }
0xc3: {  	[dreg:$0x0] =	wrdreg $0xFFFFFFFF;
	(pc) =	sbr.abs _section_cstart, $3  }
0xc4: {  	[dreg:$0x1] =	wrdreg $0xFFFFFFFF  }
0xc5: {  	_ =	task.clear_ibuf [dreg:s9], $0x2FFFF;
	_ =	strace $0x9FFFFFFF  }
0xc6: {  	(tm) =	ssettm $0x7FFFFFFF  }
0xc7: {  	_ =	shalt  }
tec
execute0_lowered:
.L_overlay_start_1:
0x0: {  	(tag) =	ssettag $0x1  }
0x1: {  	s4 =	rddreg [dreg:$0x0]  }
0x2: {  	s5 =	rddreg [dreg:$0x1]  }
0x3: {  	s2 =	rddreg [dreg:$0x2];
	s1 =	srdreg.scid  }
0x4: {  	s0 =	stileid.u32;
	s6 =	rddreg [dreg:$0x3];
	s3 =	simm.s32 $0x0  }
0x5: {  	s12 =	simm.s32 $0x3;
	s13 =	simm.s32 $0xA0;
	s14 =	simm.s32 $0xA280  }
0x6: {  	s15 =	simm.s32 $0x5280;
	s16 =	simm.s32 $0xF280;
	s17 =	simm.s32 $0x1  }
0x7: {  	s18 =	simm.s32 $0x140;
	s19 =	simm.s32 $0x2;
	s20 =	simm.s32 $0x20  }
0x8: {  	s21 =	simm.s32 $0x1E0;
	s22 =	simm.s32 $0x200;
	s23 =	simm.s32 $0x0  }
0x9: {  	s7 =	sand.u32 $0x1, s1;
	s8 =	sshll.u32 s0, $0x1;
	s1 =	rddreg [dreg:$0x4]  }
0xa: {  	[smem:$0x7FF] =	sst s3;
	s8 =	sor.u32 s7, s8;
	s31 =	ssub.s32 $0x2, s7  }
0xb: {  	_ =	strace $0x80000047;
	s9 =	sshll.u32 s8, $0x4;
	s7 =	sshrl.u32 s31, $0x1  }
0xc: {  	s10 =	sshll.u32 s8, $0xD;
	s8 =	sshll.u32 s8, $0x6;
	s9 =	sadd.s32 s9, s6  }
0xd: {  	s11 =	ssub.s32 s31, s7;
	s4 =	sadd.s32 s4, s10;
	s5 =	sadd.s32 s5, s8  }
0xe: {  	s6 =	sadd.s32 $0xA00, s4;
	s7 =	sadd.s32 $0x1400, s4;
	s8 =	sadd.s32 $0x1E00, s4  }
0xf: {  	s9 =	sadd.s32 $0x600, s9;
	s10 =	smax.u32 s11, $0x1;
	s11 =	simm.s32 $0x280  }
.LBB2_1:
0x10: {  	[tilespmem:s11], [sflag:$0x1] =	stream.linear.gather [hbm4b:s4+s3], $0x5000, $0x38;
	[tilespmem:$0x14280] =	vst v63  }
0x11: {  	_ = 	snop  }
0x12: {  	[tilespmem:s3], [sflag:$0x3] =	stream.linear.gather [hbm4b:s5+s3], $0x200, $0x38;
	[tilespmem:$0x14280] =	vst v63  }
0x13: {  	_ =	swait.ge [sflag:s12], $0x200  }
0x14: {  	[sflag:s12] =	ssyncset.done $0x0  }
0x15: {  	[sflag:s12] =	ssyncadd.s32 $0xFFFFFE00  }
0x16: {  	[tilespmem:s14], [sflag:$0x1] =	stream.indirect.gather [hbm4b:s2+s13], $0x80, s3, s13, $0xb8;
	[tilespmem:$0x14280] =	vst v63  }
0x17: {  	_ = 	snop  }
0x18: {  	[tilespmem:s15], [sflag:$0x2] =	stream.linear.gather [hbm4b:s6+s3], $0x5000, $0x38;
	[tilespmem:$0x14280] =	vst v63  }
0x19: {  	_ = 	snop  }
0x1a: {  	[tilespmem:s16], [sflag:$0x2] =	stream.indirect.gather [hbm4b:s2+s13], $0x80, s13, s13, $0xb8;
	[tilespmem:$0x14280] =	vst v63  }
0x1b: {  	_ =	swait.ge [sflag:s17], $0x5000  }
0x1c: {  	[sflag:s17] =	ssyncset.done $0x0  }
0x1d: {  	[sflag:s17] =	ssyncadd.s32 $0xFFFFB000  }
0x1e: {  	_ =	swait.ge [sflag:s17], $0x5000  }
0x1f: {  	[sflag:s17] =	ssyncset.done $0x0  }
0x20: {  	[sflag:s17] =	ssyncadd.s32 $0xFFFFB000  }
0x21: {  	[tilespmem:s11], [sflag:$0x1] =	stream.linear.gather [hbm4b:s7+s3], $0x5000, $0x38;
	[tilespmem:$0x14280] =	vst v63  }
0x22: {  	s25 =	simm.s32 $0x0  }
0x23: {  	[tilespmem:s14], [sflag:$0x1] =	stream.indirect.gather [hbm4b:s2+s13], $0x80, s18, s13, $0xb8;
	[tilespmem:$0x14280] =	vst v63  }
0x24: {  	v0 =	vld [tilespmem:s25+$0x2F0]  }
0x25: {  	v1 =	vld [tilespmem:s25+$0xA2F0]  }
0x26: {  	v2 =	vld [tilespmem:s25+$0x280]  }
0x27: {  	v3 =	vld [tilespmem:s25+$0xA280]  }
0x28: {  	v4 =	vld [tilespmem:s25+$0x290]  }
0x29: {  	v5 =	vld [tilespmem:s25+$0xA290]  }
0x2a: {  	v6 =	vld [tilespmem:s25+$0x2A0]  }
0x2b: {  	v7 =	vld [tilespmem:s25+$0xA2A0]  }
0x2c: {  	v9 =	vld [tilespmem:s25+$0x2B0]  }
0x2d: {  	v10 =	vld [tilespmem:s25+$0xA2B0];
	_ =	sdelay $0x2  }
0x2e: {  	v14 =	vld [tilespmem:s25+$0x2C0];
	v0 =	vsub.f32 v0, v1;
	v1 =	vsub.f32 v2, v3  }
0x2f: {  	v2 =	vsub.f32 v4, v5;
	v5 =	vld [tilespmem:s25+$0xA2C0];
	v3 =	vsub.f32 v6, v7  }
0x30: {  	v8 =	vld [tilespmem:s25+$0x2D0];
	v4 =	vimm.f32 $0.0e+00;
	v6 =	vsub.f32 v9, v10;
	v0 =	vmul.f32 v0, v0  }
0x31: {  	v11 =	vld [tilespmem:s25+$0xA2D0];
	v7 =	vimm.f32 $0.0e+00;
	v1 =	vmul.f32 v1, v1;
	v2 =	vmul.f32 v2, v2  }
0x32: {  	v12 =	vld [tilespmem:s25+$0xA2E0];
	v3 =	vmul.f32 v3, v3;
	v13 =	vmul.f32 v6, v6;
	v0 =	vadd.f32 v0, v4  }
0x33: {  	s24 =	simm.s32 $0x80;
	v9 =	vld [tilespmem:s25+$0x2E0];
	v6 =	vimm.f32 $0.0e+00;
	v1 =	vadd.f32 v1, v4;
	v2 =	vadd.f32 v2, v4  }
0x34: {  	v10 =	vld [tilespmem:s24+$0x2F0];
	s25 =	simm.s32 $0x400;
	v3 =	vadd.f32 v3, v4;
	v14 =	vsub.f32 v14, v5;
	v5 =	vimm.f32 $0.0e+00  }
.LBB2_2:
0x35: {  	p0 =	sne.s32 s25, $0x13E00;
	v15 =	vld [tilespmem:s24+$0xA2F0]  }
0x36: {  	v16 =	vld [tilespmem:s24+$0x280];
	v4 =	vadd.f32 v13, v4;
	v13 =	vmul.f32 v14, v14;
	v8 =	vsub.f32 v8, v11  }
0x37: {  	v11 =	vld [tilespmem:s24+$0xA280]  }
0x38: {  	v14 =	vld [tilespmem:s24+$0x290];
	v7 =	vadd.f32 v13, v7;
	v8 =	vmul.f32 v8, v8;
	v9 =	vsub.f32 v9, v12  }
0x39: {  	v12 =	vld [tilespmem:s24+$0xA290]  }
0x3a: {  	v13 =	vld [tilespmem:s24+$0x2A0];
	v10 =	vsub.f32 v10, v15;
	v6 =	vadd.f32 v8, v6;
	v8 =	vmul.f32 v9, v9  }
0x3b: {  	v9 =	vld [tilespmem:s24+$0xA2A0]  }
0x3c: {  	v11 =	vsub.f32 v16, v11;
	v15 =	vld [tilespmem:s24+$0x2B0];
	v10 =	vmul.f32 v10, v10;
	v5 =	vadd.f32 v8, v5  }
0x3d: {  	v16 =	vld [tilespmem:s24+$0xA2B0]  }
0x3e: {  	v8 =	vmul.f32 v11, v11;
	v11 =	vsub.f32 v14, v12;
	v14 =	vld [tilespmem:s24+$0x2C0];
	v0 =	vadd.f32 v10, v0  }
0x3f: {  	v17 =	vld [tilespmem:s24+$0xA2C0]  }
.Ltmp0:
0x40: {  	v1 =	vadd.f32 v8, v1;
	v10 =	vmul.f32 v11, v11;
	v9 =	vsub.f32 v13, v9;
	v8 =	vld [tilespmem:s24+$0x2D0];
	(pc) =	sbr.rel @p0 .LBB2_2-.Ltmp0, $4  }
0x41: {  	v11 =	vld [tilespmem:s24+$0xA2D0]  }
0x42: {  	v2 =	vadd.f32 v10, v2;
	v13 =	vmul.f32 v9, v9;
	v15 =	vsub.f32 v15, v16;
	v9 =	vld [tilespmem:s24+$0x2E0]  }
0x43: {  	v12 =	vld [tilespmem:s24+$0xA2E0];
	s24 =	sshra.s32 s25, $0x2  }
0x44: {  	s25 =	sadd.s32 $0x200, s25;
	v10 =	vld [tilespmem:s24+$0x2F0];
	v3 =	vadd.f32 v13, v3;
	v13 =	vmul.f32 v15, v15;
	v14 =	vsub.f32 v14, v17  }
0x45: {  	v15 =	vld [tilespmem:s24+$0xA2F0]  }
0x46: {  	v16 =	vld [tilespmem:s24+$0x280]  }
0x47: {  	v17 =	vld [tilespmem:s24+$0xA280]  }
0x48: {  	v18 =	vld [tilespmem:s24+$0x290]  }
0x49: {  	v19 =	vld [tilespmem:s24+$0xA290]  }
0x4a: {  	v20 =	vld [tilespmem:s24+$0x2A0]  }
0x4b: {  	v21 =	vld [tilespmem:s24+$0xA2A0]  }
0x4c: {  	v22 =	vld [tilespmem:s24+$0x2B0]  }
0x4d: {  	v23 =	vld [tilespmem:s24+$0xA2B0]  }
0x4e: {  	v24 =	vld [tilespmem:s24+$0x2C0]  }
0x4f: {  	v25 =	vld [tilespmem:s24+$0xA2C0]  }
0x50: {  	v26 =	vld [tilespmem:s24+$0x2D0]  }
0x51: {  	v27 =	vld [tilespmem:s24+$0xA2D0]  }
0x52: {  	v28 =	vld [tilespmem:s24+$0x2E0]  }
0x53: {  	v29 =	vld [tilespmem:s24+$0xA2E0];
	_ =	swait.ge [sflag:s19], $0x5000  }
0x54: {  	[sflag:s19] =	ssyncset.done $0x0  }
0x55: {  	[sflag:s19] =	ssyncadd.s32 $0xFFFFB000  }
0x56: {  	_ =	swait.ge [sflag:s19], $0x5000  }
0x57: {  	[sflag:s19] =	ssyncset.done $0x0  }
0x58: {  	s31 =	simm.s32 $0x0;
	[sflag:s19] =	ssyncadd.s32 $0xFFFFB000  }
0x59: {  	[tilespmem:s15], [sflag:$0x2] =	stream.linear.gather [hbm4b:s8+s31], $0x1000, $0x38;
	[tilespmem:$0x14280] =	vst v63  }
0x5a: {  	s25 =	simm.s32 $0x0;
	v8 =	vsub.f32 v8, v11  }
0x5b: {  	v11 =	vmul.f32 v14, v14;
	[tilespmem:s16], [sflag:$0x2] =	stream.indirect.gather [hbm4b:s2+s20], $0x80, s21, s20, $0xb8;
	[tilespmem:$0x14280] =	vst v63  }
0x5c: {  	v8 =	vmul.f32 v8, v8;
	v9 =	vsub.f32 v9, v12;
	v12 =	vld [tilespmem:s25+$0x52F0]  }
0x5d: {  	v4 =	vadd.f32 v13, v4;
	v7 =	vadd.f32 v11, v7;
	v11 =	vld [tilespmem:s25+$0xF2F0]  }
0x5e: {  	v10 =	vsub.f32 v10, v15;
	v6 =	vadd.f32 v8, v6;
	v8 =	vmul.f32 v9, v9;
	v9 =	vld [tilespmem:s25+$0x5280]  }
0x5f: {  	v13 =	vsub.f32 v16, v17;
	v14 =	vsub.f32 v18, v19;
	v15 =	vld [tilespmem:s25+$0xF280]  }
0x60: {  	v5 =	vadd.f32 v8, v5;
	v8 =	vmul.f32 v10, v10;
	v10 =	vsub.f32 v20, v21;
	v54 =	vld [tilespmem:s25+$0x5290]  }
0x61: {  	v55 =	vsub.f32 v22, v23;
	v13 =	vmul.f32 v13, v13;
	v14 =	vmul.f32 v14, v14;
	v56 =	vld [tilespmem:s25+$0xF290]  }
0x62: {  	v57 =	vadd.f32 v8, v0;
	v0 =	vmul.f32 v10, v10;
	v8 =	vsub.f32 v24, v25;
	v10 =	vld [tilespmem:s25+$0x52A0]  }
0x63: {  	v13 =	vadd.f32 v13, v1;
	v14 =	vadd.f32 v14, v2;
	v1 =	vmul.f32 v55, v55;
	v2 =	vld [tilespmem:s25+$0xF2A0]  }
0x64: {  	v59 =	vld [tilespmem:s25+$0x52B0];
	v58 =	vadd.f32 v0, v3;
	v3 =	vmul.f32 v8, v8;
	v8 =	vsub.f32 v26, v27  }
0x65: {  	v60 =	vld [tilespmem:s25+$0xF2B0];
	v0 =	vadd.f32 v1, v4;
	v1 =	vsub.f32 v28, v29  }
0x66: {  	v61 =	vld [tilespmem:s25+$0x52C0];
	v4 =	vadd.f32 v3, v7;
	v3 =	vmul.f32 v8, v8;
	v8 =	vsub.f32 v12, v11  }
0x67: {  	v1 =	vmul.f32 v1, v1;
	v9 =	vsub.f32 v9, v15;
	v11 =	vsub.f32 v54, v56;
	v15 =	vld [tilespmem:s25+$0xF2C0]  }
0x68: {  	v2 =	vsub.f32 v10, v2;
	v7 =	vadd.f32 v3, v6;
	v3 =	vmul.f32 v8, v8;
	v8 =	vld [tilespmem:s25+$0x52D0]  }
0x69: {  	v6 =	vadd.f32 v1, v5;
	v5 =	vmul.f32 v9, v9;
	v10 =	vmul.f32 v11, v11;
	v11 =	vld [tilespmem:s25+$0xF2D0]  }
0x6a: {  	v63 =	vsub.f32 v59, v60;
	v12 =	vld [tilespmem:s25+$0xF2E0];
	v62 =	vmul.f32 v2, v2;
	v1 =	vadd.f32 v3, v57  }
0x6b: {  	s24 =	simm.s32 $0x80;
	v9 =	vld [tilespmem:s25+$0x52E0];
	v2 =	vadd.f32 v5, v13;
	v3 =	vadd.f32 v10, v14  }
0x6c: {  	s25 =	simm.s32 $0x400;
	v10 =	vld [tilespmem:s24+$0x52F0];
	v5 =	vadd.f32 v62, v58;
	v13 =	vmul.f32 v63, v63;
	v14 =	vsub.f32 v61, v15  }
.LBB2_4:
0x6d: {  	p0 =	sne.s32 s25, $0x13E00;
	v15 =	vld [tilespmem:s24+$0xF2F0]  }
0x6e: {  	v16 =	vld [tilespmem:s24+$0x5280];
	v0 =	vadd.f32 v13, v0;
	v13 =	vmul.f32 v14, v14;
	v8 =	vsub.f32 v8, v11  }
0x6f: {  	v11 =	vld [tilespmem:s24+$0xF280]  }
0x70: {  	v14 =	vld [tilespmem:s24+$0x5290];
	v4 =	vadd.f32 v13, v4;
	v8 =	vmul.f32 v8, v8;
	v9 =	vsub.f32 v9, v12  }
0x71: {  	v12 =	vld [tilespmem:s24+$0xF290]  }
0x72: {  	v13 =	vld [tilespmem:s24+$0x52A0];
	v10 =	vsub.f32 v10, v15;
	v7 =	vadd.f32 v8, v7;
	v8 =	vmul.f32 v9, v9  }
0x73: {  	v9 =	vld [tilespmem:s24+$0xF2A0]  }
0x74: {  	v11 =	vsub.f32 v16, v11;
	v15 =	vld [tilespmem:s24+$0x52B0];
	v10 =	vmul.f32 v10, v10;
	v6 =	vadd.f32 v8, v6  }
0x75: {  	v16 =	vld [tilespmem:s24+$0xF2B0]  }
0x76: {  	v8 =	vmul.f32 v11, v11;
	v11 =	vsub.f32 v14, v12;
	v14 =	vld [tilespmem:s24+$0x52C0];
	v1 =	vadd.f32 v10, v1  }
0x77: {  	v17 =	vld [tilespmem:s24+$0xF2C0]  }
.Ltmp1:
0x78: {  	v2 =	vadd.f32 v8, v2;
	v10 =	vmul.f32 v11, v11;
	v9 =	vsub.f32 v13, v9;
	v8 =	vld [tilespmem:s24+$0x52D0];
	(pc) =	sbr.rel @p0 .LBB2_4-.Ltmp1, $4  }
0x79: {  	v11 =	vld [tilespmem:s24+$0xF2D0]  }
0x7a: {  	v3 =	vadd.f32 v10, v3;
	v13 =	vmul.f32 v9, v9;
	v15 =	vsub.f32 v15, v16;
	v9 =	vld [tilespmem:s24+$0x52E0]  }
0x7b: {  	v12 =	vld [tilespmem:s24+$0xF2E0];
	s24 =	sshra.s32 s25, $0x2  }
0x7c: {  	s25 =	sadd.s32 $0x200, s25;
	v10 =	vld [tilespmem:s24+$0x52F0];
	v5 =	vadd.f32 v13, v5;
	v13 =	vmul.f32 v15, v15;
	v14 =	vsub.f32 v14, v17  }
0x7d: {  	v15 =	vld [tilespmem:s24+$0xF2F0]  }
0x7e: {  	v16 =	vld [tilespmem:s24+$0x5280]  }
0x7f: {  	v17 =	vld [tilespmem:s24+$0xF280]  }
0x80: {  	v18 =	vld [tilespmem:s24+$0x5290]  }
0x81: {  	v19 =	vld [tilespmem:s24+$0xF290]  }
0x82: {  	v20 =	vld [tilespmem:s24+$0x52A0]  }
0x83: {  	v21 =	vld [tilespmem:s24+$0xF2A0]  }
0x84: {  	v22 =	vld [tilespmem:s24+$0x52B0]  }
0x85: {  	v23 =	vld [tilespmem:s24+$0xF2B0]  }
0x86: {  	v24 =	vld [tilespmem:s24+$0x52C0]  }
0x87: {  	v25 =	vld [tilespmem:s24+$0xF2C0]  }
0x88: {  	v26 =	vld [tilespmem:s24+$0x52D0]  }
0x89: {  	v27 =	vld [tilespmem:s24+$0xF2D0]  }
0x8a: {  	v28 =	vld [tilespmem:s24+$0x52E0]  }
0x8b: {  	v29 =	vld [tilespmem:s24+$0xF2E0];
	_ =	swait.ge [sflag:s17], $0x5000  }
0x8c: {  	[sflag:s17] =	ssyncset.done $0x0  }
0x8d: {  	[sflag:s17] =	ssyncadd.s32 $0xFFFFB000  }
0x8e: {  	_ =	swait.ge [sflag:s17], $0x5000  }
0x8f: {  	v8 =	vsub.f32 v8, v11;
	[sflag:s17] =	ssyncset.done $0x0  }
0x90: {  	s25 =	simm.s32 $0x0;
	v11 =	vmul.f32 v14, v14;
	[sflag:s17] =	ssyncadd.s32 $0xFFFFB000  }
0x91: {  	v8 =	vmul.f32 v8, v8;
	v9 =	vsub.f32 v9, v12;
	v12 =	vld [tilespmem:s25+$0x2F0]  }
0x92: {  	v4 =	vadd.f32 v11, v4;
	v11 =	vld [tilespmem:s25+$0xA2F0]  }
0x93: {  	v7 =	vadd.f32 v8, v7;
	v8 =	vmul.f32 v9, v9;
	v9 =	vld [tilespmem:s25+$0x280]  }
0x94: {  	v0 =	vadd.f32 v13, v0;
	v10 =	vsub.f32 v10, v15;
	v15 =	vld [tilespmem:s25+$0xA280]  }
0x95: {  	v13 =	vsub.f32 v16, v17;
	v14 =	vsub.f32 v18, v19;
	v56 =	vld [tilespmem:s25+$0x290]  }
0x96: {  	v58 =	vld [tilespmem:s25+$0xA290];
	v6 =	vadd.f32 v8, v6;
	v8 =	vmul.f32 v10, v10;
	v10 =	vsub.f32 v20, v21  }
0x97: {  	v57 =	vsub.f32 v22, v23;
	v59 =	vld [tilespmem:s25+$0x2A0];
	v13 =	vmul.f32 v13, v13;
	v14 =	vmul.f32 v14, v14  }
0x98: {  	v60 =	vld [tilespmem:s25+$0x2B0];
	v1 =	vadd.f32 v8, v1;
	v8 =	vmul.f32 v10, v10;
	v10 =	vsub.f32 v24, v25  }
0x99: {  	v2 =	vadd.f32 v13, v2;
	v3 =	vadd.f32 v14, v3;
	v13 =	vmul.f32 v57, v57;
	v14 =	vld [tilespmem:s25+$0xA2A0]  }
0x9a: {  	v61 =	vld [tilespmem:s25+$0xA2B0];
	v5 =	vadd.f32 v8, v5;
	v8 =	vmul.f32 v10, v10;
	v10 =	vsub.f32 v26, v27  }
0x9b: {  	v62 =	vld [tilespmem:s25+$0x2C0];
	v0 =	vadd.f32 v13, v0;
	v13 =	vsub.f32 v28, v29  }
0x9c: {  	v9 =	vsub.f32 v9, v15;
	v15 =	vld [tilespmem:s25+$0xA2C0];
	v4 =	vadd.f32 v8, v4;
	v8 =	vmul.f32 v10, v10  }
0x9d: {  	v10 =	vsub.f32 v12, v11;
	v11 =	vmul.f32 v13, v13;
	v12 =	vsub.f32 v56, v58  }
0x9e: {  	v13 =	vsub.f32 v59, v14;
	v14 =	vmul.f32 v9, v9;
	v7 =	vadd.f32 v8, v7;
	v8 =	vld [tilespmem:s25+$0x2D0]  }
0x9f: {  	v63 =	vsub.f32 v60, v61;
	v6 =	vadd.f32 v11, v6;
	v12 =	vmul.f32 v12, v12;
	v11 =	vld [tilespmem:s25+$0xA2D0]  }
0xa0: {  	v9 =	vld [tilespmem:s25+$0x2E0];
	v10 =	vmul.f32 v10, v10;
	v13 =	vmul.f32 v13, v13;
	v2 =	vadd.f32 v14, v2  }
0xa1: {  	s24 =	simm.s32 $0x80;
	v14 =	vsub.f32 v62, v15;
	v3 =	vadd.f32 v12, v3;
	v12 =	vld [tilespmem:s25+$0xA2E0]  }
0xa2: {  	v1 =	vadd.f32 v10, v1;
	v10 =	vld [tilespmem:s24+$0x2F0];
	s25 =	simm.s32 $0x400;
	v5 =	vadd.f32 v13, v5;
	v13 =	vmul.f32 v63, v63  }
.LBB2_6:
0xa3: {  	p0 =	sne.s32 s25, $0x13E00;
	v15 =	vld [tilespmem:s24+$0xA2F0]  }
0xa4: {  	v16 =	vld [tilespmem:s24+$0x280];
	v0 =	vadd.f32 v13, v0;
	v13 =	vmul.f32 v14, v14;
	v8 =	vsub.f32 v8, v11  }
0xa5: {  	v11 =	vld [tilespmem:s24+$0xA280]  }
0xa6: {  	v14 =	vld [tilespmem:s24+$0x290];
	v4 =	vadd.f32 v13, v4;
	v8 =	vmul.f32 v8, v8;
	v9 =	vsub.f32 v9, v12  }
0xa7: {  	v12 =	vld [tilespmem:s24+$0xA290]  }
0xa8: {  	v13 =	vld [tilespmem:s24+$0x2A0];
	v10 =	vsub.f32 v10, v15;
	v7 =	vadd.f32 v8, v7;
	v8 =	vmul.f32 v9, v9  }
0xa9: {  	v9 =	vld [tilespmem:s24+$0xA2A0]  }
0xaa: {  	v11 =	vsub.f32 v16, v11;
	v15 =	vld [tilespmem:s24+$0x2B0];
	v10 =	vmul.f32 v10, v10;
	v6 =	vadd.f32 v8, v6  }
0xab: {  	v16 =	vld [tilespmem:s24+$0xA2B0]  }
0xac: {  	v8 =	vmul.f32 v11, v11;
	v11 =	vsub.f32 v14, v12;
	v14 =	vld [tilespmem:s24+$0x2C0];
	v1 =	vadd.f32 v10, v1  }
0xad: {  	v17 =	vld [tilespmem:s24+$0xA2C0]  }
.Ltmp2:
0xae: {  	v2 =	vadd.f32 v8, v2;
	v10 =	vmul.f32 v11, v11;
	v9 =	vsub.f32 v13, v9;
	v8 =	vld [tilespmem:s24+$0x2D0];
	(pc) =	sbr.rel @p0 .LBB2_6-.Ltmp2, $4  }
0xaf: {  	v11 =	vld [tilespmem:s24+$0xA2D0]  }
0xb0: {  	v3 =	vadd.f32 v10, v3;
	v13 =	vmul.f32 v9, v9;
	v15 =	vsub.f32 v15, v16;
	v9 =	vld [tilespmem:s24+$0x2E0]  }
0xb1: {  	v12 =	vld [tilespmem:s24+$0xA2E0];
	s24 =	sshra.s32 s25, $0x2  }
0xb2: {  	s25 =	sadd.s32 $0x200, s25;
	v10 =	vld [tilespmem:s24+$0x2F0];
	v5 =	vadd.f32 v13, v5;
	v13 =	vmul.f32 v15, v15;
	v14 =	vsub.f32 v14, v17  }
0xb3: {  	v15 =	vld [tilespmem:s24+$0xA2F0]  }
0xb4: {  	v16 =	vld [tilespmem:s24+$0x280]  }
0xb5: {  	v17 =	vld [tilespmem:s24+$0xA280]  }
0xb6: {  	v18 =	vld [tilespmem:s24+$0x290]  }
0xb7: {  	v19 =	vld [tilespmem:s24+$0xA290]  }
0xb8: {  	v20 =	vld [tilespmem:s24+$0x2A0]  }
0xb9: {  	v21 =	vld [tilespmem:s24+$0xA2A0]  }
0xba: {  	v22 =	vld [tilespmem:s24+$0x2B0]  }
0xbb: {  	v23 =	vld [tilespmem:s24+$0xA2B0]  }
0xbc: {  	v24 =	vld [tilespmem:s24+$0x2C0]  }
0xbd: {  	v25 =	vld [tilespmem:s24+$0xA2C0]  }
0xbe: {  	v26 =	vld [tilespmem:s24+$0x2D0]  }
0xbf: {  	v27 =	vld [tilespmem:s24+$0xA2D0]  }
0xc0: {  	v28 =	vld [tilespmem:s24+$0x2E0]  }
0xc1: {  	v29 =	vld [tilespmem:s24+$0xA2E0];
	_ =	swait.ge [sflag:s19], $0x1000  }
0xc2: {  	[sflag:s19] =	ssyncset.done $0x0  }
0xc3: {  	[sflag:s19] =	ssyncadd.s32 $0xFFFFF000  }
0xc4: {  	v8 =	vsub.f32 v8, v11;
	_ =	swait.ge [sflag:s19], $0x1000  }
0xc5: {  	v11 =	vmul.f32 v14, v14;
	[sflag:s19] =	ssyncset.done $0x0  }
0xc6: {  	s25 =	simm.s32 $0x0;
	v8 =	vmul.f32 v8, v8;
	v9 =	vsub.f32 v9, v12;
	[sflag:s19] =	ssyncadd.s32 $0xFFFFF000  }
0xc7: {  	v0 =	vadd.f32 v13, v0;
	v11 =	vadd.f32 v11, v4;
	v12 =	vld [tilespmem:s25+$0x52F0]  }
0xc8: {  	v4 =	vsub.f32 v10, v15;
	v7 =	vadd.f32 v8, v7;
	v8 =	vmul.f32 v9, v9;
	v13 =	vld [tilespmem:s25+$0xF2F0]  }
0xc9: {  	v10 =	vsub.f32 v16, v17;
	v14 =	vsub.f32 v18, v19;
	v9 =	vld [tilespmem:s25+$0x5280]  }
0xca: {  	v15 =	vld [tilespmem:s25+$0xF280];
	v6 =	vadd.f32 v8, v6;
	v4 =	vmul.f32 v4, v4;
	v8 =	vsub.f32 v20, v21  }
0xcb: {  	v55 =	vsub.f32 v22, v23;
	v54 =	vld [tilespmem:s25+$0x5290];
	v10 =	vmul.f32 v10, v10  }
0xcc: {  	v56 =	vld [tilespmem:s25+$0xF290];
	v14 =	vmul.f32 v14, v14;
	v57 =	vadd.f32 v4, v1;
	v1 =	vmul.f32 v8, v8  }
0xcd: {  	v4 =	vsub.f32 v24, v25;
	v8 =	vld [tilespmem:s25+$0x52A0];
	v58 =	vadd.f32 v10, v2;
	v2 =	vmul.f32 v55, v55  }
0xce: {  	v59 =	vsub.f32 v26, v27;
	v14 =	vadd.f32 v14, v3;
	v10 =	vld [tilespmem:s25+$0xF2A0]  }
0xcf: {  	v60 =	vld [tilespmem:s25+$0x52B0];
	v5 =	vadd.f32 v1, v5;
	v1 =	vmul.f32 v4, v4;
	v4 =	vadd.f32 v2, v0  }
0xd0: {  	v61 =	vld [tilespmem:s25+$0xF2B0];
	v0 =	vsub.f32 v28, v29;
	v9 =	vsub.f32 v9, v15  }
0xd1: {  	v15 =	vld [tilespmem:s25+$0xF2C0];
	v3 =	vadd.f32 v1, v11;
	v1 =	vmul.f32 v59, v59;
	v11 =	vsub.f32 v12, v13  }
0xd2: {  	v13 =	vld [tilespmem:s25+$0x52C0];
	v0 =	vmul.f32 v0, v0;
	v12 =	vsub.f32 v54, v56  }
0xd3: {  	v8 =	vsub.f32 v8, v10;
	v10 =	vld [tilespmem:s25+$0x52D0];
	v2 =	vadd.f32 v1, v7;
	v7 =	vmul.f32 v11, v11  }
0xd4: {  	v1 =	vadd.f32 v0, v6;
	v6 =	vmul.f32 v9, v9;
	v11 =	vmul.f32 v12, v12;
	v12 =	vld [tilespmem:s25+$0xF2D0]  }
0xd5: {  	v63 =	vsub.f32 v60, v61;
	v9 =	vld [tilespmem:s25+$0x52E0];
	v62 =	vmul.f32 v8, v8;
	v0 =	vadd.f32 v7, v57  }
0xd6: {  	s24 =	simm.s32 $0x80;
	v6 =	vadd.f32 v6, v58;
	v7 =	vadd.f32 v11, v14;
	v11 =	vld [tilespmem:s25+$0xF2E0]  }
0xd7: {  	v8 =	vld [tilespmem:s24+$0x52F0];
	s25 =	simm.s32 $0x400;
	v14 =	vmul.f32 v63, v63;
	v5 =	vadd.f32 v62, v5;
	v13 =	vsub.f32 v13, v15  }
.LBB2_8:
0xd8: {  	p0 =	sne.s32 s25, $0x3E00;
	v15 =	vld [tilespmem:s24+$0xF2F0]  }
0xd9: {  	v16 =	vld [tilespmem:s24+$0x5280];
	v4 =	vadd.f32 v14, v4;
	v13 =	vmul.f32 v13, v13;
	v10 =	vsub.f32 v10, v12  }
0xda: {  	v12 =	vld [tilespmem:s24+$0xF280]  }
0xdb: {  	v14 =	vld [tilespmem:s24+$0x5290];
	v3 =	vadd.f32 v13, v3;
	v10 =	vmul.f32 v10, v10;
	v9 =	vsub.f32 v9, v11  }
0xdc: {  	v11 =	vld [tilespmem:s24+$0xF290]  }
0xdd: {  	v13 =	vld [tilespmem:s24+$0x52A0];
	v8 =	vsub.f32 v8, v15;
	v2 =	vadd.f32 v10, v2;
	v9 =	vmul.f32 v9, v9  }
0xde: {  	v10 =	vld [tilespmem:s24+$0xF2A0]  }
0xdf: {  	v12 =	vsub.f32 v16, v12;
	v15 =	vld [tilespmem:s24+$0x52B0];
	v8 =	vmul.f32 v8, v8;
	v1 =	vadd.f32 v9, v1  }
0xe0: {  	v9 =	vld [tilespmem:s24+$0xF2B0]  }
0xe1: {  	v12 =	vmul.f32 v12, v12;
	v11 =	vsub.f32 v14, v11;
	v16 =	vld [tilespmem:s24+$0x52C0];
	v0 =	vadd.f32 v8, v0  }
0xe2: {  	v17 =	vld [tilespmem:s24+$0xF2C0]  }
.Ltmp3:
0xe3: {  	v6 =	vadd.f32 v12, v6;
	v8 =	vmul.f32 v11, v11;
	v11 =	vsub.f32 v13, v10;
	v10 =	vld [tilespmem:s24+$0x52D0];
	(pc) =	sbr.rel @p0 .LBB2_8-.Ltmp3, $4  }
0xe4: {  	v12 =	vld [tilespmem:s24+$0xF2D0]  }
0xe5: {  	v7 =	vadd.f32 v8, v7;
	v13 =	vmul.f32 v11, v11;
	v14 =	vsub.f32 v15, v9;
	v9 =	vld [tilespmem:s24+$0x52E0]  }
0xe6: {  	v11 =	vld [tilespmem:s24+$0xF2E0];
	s24 =	sshra.s32 s25, $0x2  }
0xe7: {  	s25 =	sadd.s32 $0x200, s25;
	v8 =	vld [tilespmem:s24+$0x52F0];
	v5 =	vadd.f32 v13, v5;
	v14 =	vmul.f32 v14, v14;
	v13 =	vsub.f32 v16, v17  }
0xe8: {  	v15 =	vld [tilespmem:s24+$0x5280]  }
0xe9: {  	v16 =	vld [tilespmem:s24+$0xF280]  }
0xea: {  	v17 =	vld [tilespmem:s24+$0x5290]  }
0xeb: {  	v18 =	vld [tilespmem:s24+$0xF290]  }
0xec: {  	v19 =	vld [tilespmem:s24+$0x52A0]  }
0xed: {  	v20 =	vld [tilespmem:s24+$0xF2A0]  }
0xee: {  	v21 =	vld [tilespmem:s24+$0x52B0]  }
0xef: {  	v22 =	vld [tilespmem:s24+$0xF2B0]  }
0xf0: {  	v23 =	vld [tilespmem:s24+$0x52C0]  }
0xf1: {  	v44 =	vld [tilespmem:s24+$0xF2C0];
	v15 =	vsub.f32 v15, v16;
	v43 =	vsub.f32 v17, v18  }
0xf2: {  	v49 =	vld [tilespmem:s24+$0x52D0];
	v4 =	vadd.f32 v14, v4  }
0xf3: {  	v51 =	vld [tilespmem:s24+$0xF2D0];
	v48 =	vsub.f32 v19, v20;
	v46 =	vmul.f32 v15, v15;
	v47 =	vmul.f32 v43, v43  }
0xf4: {  	v53 =	vld [tilespmem:s24+$0x52E0];
	v10 =	vsub.f32 v10, v12;
	v45 =	vmul.f32 v13, v13;
	v50 =	vsub.f32 v21, v22  }
0xf5: {  	v55 =	vld [tilespmem:s24+$0xF2E0];
	v52 =	vmul.f32 v48, v48;
	v6 =	vadd.f32 v46, v6;
	v7 =	vadd.f32 v47, v7  }
0xf6: {  	v3 =	vadd.f32 v45, v3;
	v54 =	vsub.f32 v23, v44  }
0xf7: {  	v56 =	vld [tilespmem:s24+$0xF2F0];
	v12 =	vmul.f32 v50, v50;
	v5 =	vadd.f32 v52, v5;
	v6 =	vadd.f32 v7, v6  }
0xf8: {  	v9 =	vsub.f32 v9, v11;
	v10 =	vmul.f32 v10, v10;
	v57 =	vsub.f32 v49, v51  }
0xf9: {  	v11 =	vmul.f32 v54, v54;
	v4 =	vadd.f32 v12, v4;
	v5 =	vadd.f32 v5, v6  }
0xfa: {  	v2 =	vadd.f32 v10, v2;
	v58 =	vmul.f32 v9, v9;
	v60 =	vsub.f32 v53, v55  }
0xfb: {  	v59 =	vmul.f32 v57, v57;
	v3 =	vadd.f32 v11, v3;
	v4 =	vadd.f32 v4, v5  }
0xfc: {  	v61 =	vsub.f32 v8, v56;
	v1 =	vadd.f32 v58, v1  }
0xfd: {  	v62 =	vmul.f32 v60, v60;
	v2 =	vadd.f32 v59, v2;
	v3 =	vadd.f32 v3, v4;
	_ =	sdelay $0x1  }
0xfe: {  	v63 =	vmul.f32 v61, v61;
	v1 =	vadd.f32 v62, v1;
	v2 =	vadd.f32 v2, v3;
	_ =	sdelay $0x1  }
0xff: {  	v0 =	vadd.f32 v63, v0;
	v1 =	vadd.f32 v1, v2;
	_ =	sdelay $0x1  }
0x100: {  	s23 =	sadd.s32 $0x1, s23;
	v0 =	vadd.f32 v0, v1  }
0x101: {  	p0 =	sne.s32 s23, s10  }
.Ltmp4:
0x102: {  	[tilespmem:$0x200] =	vst v0;
	(pc) =	sbr.rel @p0 .LBB2_1-.Ltmp4, $4  }
0x103: {  	[hbm4b:s9+s3] =	stream.linear.scatter [tilespmem:s22], [sflag:$0x3], $0x80, $0x38;
	[tilespmem:$0x14280] =	vst v63  }
0x104: {  	_ =	swait.ge [sflag:s12], $0x80  }
0x105: {  	[sflag:s12] =	ssyncset.done $0x0  }
0x106: {  	[sflag:s12] =	ssyncadd.s32 $0xFFFFFF80  }
0x107: {  	_ =	sfence.sel $0x180000  }
0x108: {  	[bflag:$0x0] =	sbarrier.arrive $0xFFFF  }
0x109: {  	p0 =	sne.s32 s0, $0x0;
	_ =	strace $0x90000047  }
0x10a: {  	s0 =	sadd.s32 @!p0 $0x100000, s1;
	[bflag:$0x2] =	sbarrier.arrive $0xFFFF  }
0x10b: {  	[sflag:s0] =	ssyncadd.tile.s32 @!p0 $0x1;
	_ =	shalt  }
.Lfunc_end2:
_tile_overlayer_lowered:
.L_overlay_start_2:
0x10c: {  	(tag) =	ssettag $0x2  }
0x10d: {  	s0 =	rddreg [dreg:$0x0];
	s2 =	stileid.u32  }
0x10e: {  	s1 =	rddreg [dreg:$0x1];
	p0 =	sne.s32 s2, $0x0  }
0x10f: {  	s3 =	rddreg [dreg:$0x2];
	[bflag:$0x3] =	sbarrier.arrive $0xFFFF;
	s2 =	simm.s32 @!p0 $0x1C03  }
0x110: {  	[timem:s3], [sflag:s2] =	dma.local @!p0 [hbm:s0], s1  }
0x111: {  	s0 =	simm.s32 @!p0 $0x3  }
0x112: {  	_ =	swait.ge @!p0 [sflag:s0], s1  }
0x113: {  	s1 =	ssub.s32 @!p0 $0x0, s1;
	[sflag:s0] =	ssyncset.done @!p0 $0x0  }
0x114: {  	[sflag:s0] =	ssyncadd.s32 @!p0 s1  }
0x115: {  	[bflag:$0x3] =	sbarrier.arrive $0xFFFF  }
0x116: {  	_ =	shalt  }

</sc_bundles>
